<compile_context>
chip_gen: v7x
topology: tpu7x:2x2x1
jax: 0.10.2.dev20260603
libtpu: 0.0.44.dev20260713+nightly
codegen_flags: <defaults>
</compile_context>

<pallas_src>
import jax
import jax.numpy as jnp
from jax import lax
from jax.experimental import pallas as pl
from jax.experimental.pallas import tpu as pltpu
from jax.experimental.pallas import tpu_sc as plsc

_FD = 3846
_F = 26
_D = 16
_B = 4096
_V = _F * _FD
_P = _F * (_F - 1) // 2

_NW = 32
_L = 16
_DQ = 8
_UPP = _D // _DQ
_NU = _P * _UPP
_BW = 4096
_VPAD = ((_V + 127) >> 7) << 7
_CMAX = _VPAD - _BW
_CH = 2048
_NCH = _B // _CH
_GPC = _CH // _L


def _worker(wid, tabT, xT, out, bandA, bandB, xcolA, xcolB, stage0, stage1,
            sem_a, sem_b, sem_x, sem_o):
    lo = (wid * _NU) >> 5
    hi = ((wid + 1) * _NU) >> 5

    p0 = lo >> 1
    dq0 = lo & 1

    def scan_i(t, acc):
        return acc + jnp.where((t * (51 - t)) // 2 <= p0, 1, 0)

    i0 = lax.fori_loop(1, _F, scan_i, jnp.int32(0))
    j0 = p0 - (i0 * (51 - i0)) // 2 + i0 + 1

    def unit_step(u, carry):
        i, j, dq = carry
        p = u >> 1
        offA = i * _FD
        offB = j * _FD
        cA = jnp.minimum((offA >> 7) << 7, _CMAX)
        cB = jnp.minimum((offB >> 7) << 7, _CMAX)
        shA = offA - cA
        shB = offB - cB
        cA = pl.multiple_of(cA, 128)
        cB = pl.multiple_of(cB, 128)
        rA = pl.multiple_of(j * _D + dq * _DQ, 8)
        rB = pl.multiple_of(i * _D + dq * _DQ, 8)

        cpa = pltpu.async_copy(tabT.at[pl.ds(rA, _DQ), pl.ds(cA, _BW)],
                               bandA, sem_a)
        cpb = pltpu.async_copy(tabT.at[pl.ds(rB, _DQ), pl.ds(cB, _BW)],
                               bandB, sem_b)
        @pl.when((dq == 0) | (u == lo))
        def _():
            cpx1 = pltpu.async_copy(xT.at[i], xcolA, sem_x)
            cpx2 = pltpu.async_copy(xT.at[j], xcolB, sem_x)
            cpx1.wait()
            cpx2.wait()

        cpa.wait()
        cpb.wait()

        dslice = pl.ds(dq * _DQ, _DQ)
        for c in range(_NCH):
            stage = (stage0, stage1)[c & 1]
            if c >= 2:
                pltpu.make_async_copy(
                    stage, out.at[p, dslice, pl.ds(c * _CH, _CH)],
                    sem_o).wait()
            else:
                @pl.when(u > lo)
                def _():
                    pltpu.make_async_copy(
                        stage, out.at[p, dslice, pl.ds(c * _CH, _CH)],
                        sem_o).wait()

            @plsc.parallel_loop(0, _GPC, 1, unroll=4)
            def group(g):
                gsl = pl.ds(g * _L, _L)
                xsl = pl.ds(c * _CH + g * _L, _L)
                ia = xcolA[xsl] + shA
                ib = xcolB[xsl] + shB
                for d in range(_DQ):
                    dv = jnp.full((_L,), d, jnp.int32)
                    a = plsc.load_gather(bandA, [dv, ia])
                    b = plsc.load_gather(bandB, [dv, ib])
                    stage[d, gsl] = a * b
            pltpu.async_copy(stage, out.at[p, dslice, pl.ds(c * _CH, _CH)],
                             sem_o)

        dq2 = dq + 1
        wd = dq2 >= _UPP
        dq2 = jnp.where(wd, 0, dq2)
        j2 = jnp.where(wd, j + 1, j)
        wj = j2 >= _F
        i2 = jnp.where(wj, i + 1, i)
        j2 = jnp.where(wj, i + 2, j2)
        return i2, j2, dq2

    lax.fori_loop(lo, hi, unit_step, (i0, j0, jnp.int32(dq0)))

    for s in (stage0, stage1):
        pltpu.make_async_copy(
            s, out.at[0, pl.ds(0, _DQ), pl.ds(0, _CH)], sem_o).wait()


def _ffm_body(tabT, xT, out, *rest):
    wid = lax.axis_index("s") * 2 + lax.axis_index("c")
    _worker(wid, tabT, xT, out, *rest)


def kernel(x, tables):
    tabT = tables.transpose(0, 2, 1).reshape(_F * _D, _V)
    xT = x.T
    mesh = plsc.VectorSubcoreMesh(core_axis_name="c", subcore_axis_name="s")
    run = pl.kernel(
        _ffm_body,
        out_type=jax.ShapeDtypeStruct((_P, _D, _B), jnp.float32),
        mesh=mesh,
        compiler_params=pltpu.CompilerParams(needs_layout_passes=False),
        scratch_types=[
            pltpu.VMEM((_DQ, _BW), jnp.float32),
            pltpu.VMEM((_DQ, _BW), jnp.float32),
            pltpu.VMEM((_B,), jnp.int32),
            pltpu.VMEM((_B,), jnp.int32),
            pltpu.VMEM((_DQ, _CH), jnp.float32),
            pltpu.VMEM((_DQ, _CH), jnp.float32),
            pltpu.SemaphoreType.DMA,
            pltpu.SemaphoreType.DMA,
            pltpu.SemaphoreType.DMA,
            pltpu.SemaphoreType.DMA,
        ],
    )
    out = run(tabT, xT)
    return out.transpose(2, 0, 1)

# --- scband reference (transcript-rebuilt; emitter-appended) ---
"""Pipeline reference for scband-field-aware-factorization-machine-4758823764684 (READ-ONLY COPY).

The authoritative reference and input builder live on the scoring server;
editing this copy changes nothing except your own understanding.
"""

import jax, jax.numpy as jnp
import numpy as np

FIELD_DIMS = [3846] * 26
NUM_FIELDS = 26
EMBED_DIM = 16
BATCH = 4096
TOTAL_VOCAB = sum(FIELD_DIMS)


def setup_inputs(seed: int = 0) -> dict:
    key = jax.random.key(seed)
    k1, k2 = jax.random.split(key)
    x = jax.random.randint(k1, (BATCH, NUM_FIELDS), 0, 3846, dtype=jnp.int32)
    # NUM_FIELDS separate embedding tables, each over the full offset vocab
    tables = jax.random.normal(k2, (NUM_FIELDS, TOTAL_VOCAB, EMBED_DIM), dtype=jnp.float32) * 0.01
    return {"x": x, "tables": tables}


def reference(x, tables):
    offsets = jnp.asarray(np.concatenate([[0], np.cumsum(FIELD_DIMS)[:-1]]), dtype=x.dtype)
    xi = x + offsets[None, :]  # (B, F)
    # per-field embedding lookup: xs[i] has shape (B, F, D)
    xs = [jnp.take(tables[i], xi, axis=0) for i in range(NUM_FIELDS)]
    ix = []
    for i in range(NUM_FIELDS - 1):
        for j in range(i + 1, NUM_FIELDS):
            ix.append(xs[j][:, i] * xs[i][:, j])
    return jnp.stack(ix, axis=1)  # (B, F*(F-1)/2, D)

if __name__ == "__main__":
    import jax
    _d = setup_inputs()
    print(jax.jit(kernel)(*tuple(_d.values())))

</pallas_src>

<mosaic_0001>
#map = affine_map<(d0, d1) -> (0, 0)>
#map1 = affine_map<(d0, d1) -> (0, 0, 0)>
module attributes {stable_mosaic.version = 14 : i64} {
  func.func @_ffm_body(%arg0: i32, %arg1: i32, %arg2: memref<416x99996xf32, #tpu.memory_space<hbm>>, %arg3: memref<26x4096xi32, #tpu.memory_space<hbm>>, %arg4: memref<325x16x4096xf32, #tpu.memory_space<hbm>>, %arg5: memref<8x4096xf32, #tpu.memory_space<vmem>>, %arg6: memref<8x4096xf32, #tpu.memory_space<vmem>>, %arg7: memref<4096xi32, #tpu.memory_space<vmem>>, %arg8: memref<4096xi32, #tpu.memory_space<vmem>>, %arg9: memref<8x2048xf32, #tpu.memory_space<vmem>>, %arg10: memref<8x2048xf32, #tpu.memory_space<vmem>>, %arg11: memref<!tpu.dma_semaphore, #tpu.memory_space<semaphore_mem>>, %arg12: memref<!tpu.dma_semaphore, #tpu.memory_space<semaphore_mem>>, %arg13: memref<!tpu.dma_semaphore, #tpu.memory_space<semaphore_mem>>, %arg14: memref<!tpu.dma_semaphore, #tpu.memory_space<semaphore_mem>>) attributes {dimension_semantics = [#tpu.dimension_semantics<core_parallel>, #tpu.dimension_semantics<subcore_parallel>], iteration_bounds = array<i64: 2, 16>, scalar_prefetch = 0 : i64, scratch_operands = 10 : i64, tpu.core_type = #tpu.core_type<sc_vector_subcore>, window_params = [{transform_indices = #map}, {transform_indices = #map}, {transform_indices = #map1}]} {
    %mul3A = arith.constant 2 : i32
    %mul3A_0 = arith.muli %arg1, %mul3A : i32
    %add3A = arith.addi %mul3A_0, %arg0 : i32
    %mul3A_1 = arith.constant 650 : i32
    %mul3A_2 = arith.muli %add3A, %mul3A_1 : i32
    %shift_right_arithmetic3A = arith.constant 5 : i32
    %shift_right_arithmetic3A_3 = arith.shrsi %mul3A_2, %shift_right_arithmetic3A : i32
    %add3A_4 = arith.constant 1 : i32
    %add3A_5 = arith.addi %add3A, %add3A_4 : i32
    %mul3A_6 = arith.constant 650 : i32
    %mul3A_7 = arith.muli %add3A_5, %mul3A_6 : i32
    %shift_right_arithmetic3A_8 = arith.constant 5 : i32
    %shift_right_arithmetic3A_9 = arith.shrsi %mul3A_7, %shift_right_arithmetic3A_8 : i32
    %shift_right_arithmetic3A_10 = arith.constant 1 : i32
    %shift_right_arithmetic3A_11 = arith.shrsi %shift_right_arithmetic3A_3, %shift_right_arithmetic3A_10 : i32
    %and3A = arith.constant 1 : i32
    %and3A_12 = arith.andi %shift_right_arithmetic3A_3, %and3A : i32
    %scan3A = arith.constant 0 : i32
    %scan3A_13 = arith.constant 1 : i32
    %scan3A_14 = arith.constant 25 : i32
    %scan3A_15 = arith.addi %scan3A_13, %scan3A_14 : i32
    %scan3A_16 = arith.constant 1 : i32
    %scan3A_17 = scf.for %scan3A_69 = %scan3A_13 to %scan3A_15 step %scan3A_16 iter_args(%scan3A_70 = %scan3A) -> (i32)  : i32 {
      %sub3A_71 = arith.constant 51 : i32
      %sub3A_72 = arith.subi %sub3A_71, %scan3A_69 : i32
      %mul3A_73 = arith.muli %scan3A_69, %sub3A_72 : i32
      %jit3A_74 = arith.constant 2 : i32
      %div3A_75 = arith.divsi %mul3A_73, %jit3A_74 : i32
      %sign3A_76 = arith.constant 0 : i32
      %sign3A_77 = arith.cmpi sgt, %mul3A_73, %sign3A_76 : i32
      %sign3A_78 = arith.extui %sign3A_77 : i1 to i32
      %sign3A_79 = arith.constant 0 : i32
      %sign3A_80 = arith.cmpi slt, %mul3A_73, %sign3A_79 : i32
      %sign3A_81 = arith.extui %sign3A_80 : i1 to i32
      %sign3A_82 = arith.subi %sign3A_78, %sign3A_81 : i32
      %sign3A_83 = arith.constant 0 : i32
      %sign3A_84 = arith.cmpi sgt, %jit3A_74, %sign3A_83 : i32
      %sign3A_85 = arith.extui %sign3A_84 : i1 to i32
      %sign3A_86 = arith.constant 0 : i32
      %sign3A_87 = arith.cmpi slt, %jit3A_74, %sign3A_86 : i32
      %sign3A_88 = arith.extui %sign3A_87 : i1 to i32
      %sign3A_89 = arith.subi %sign3A_85, %sign3A_88 : i32
      %ne3A_90 = arith.cmpi ne, %sign3A_82, %sign3A_89 : i32
      %rem3A_91 = arith.remsi %mul3A_73, %jit3A_74 : i32
      %ne3A_92 = arith.constant 0 : i32
      %ne3A_93 = arith.cmpi ne, %rem3A_91, %ne3A_92 : i32
      %and3A_94 = arith.andi %ne3A_90, %ne3A_93 : i1
      %sub3A_95 = arith.constant 1 : i32
      %sub3A_96 = arith.subi %div3A_75, %sub3A_95 : i32
      %select_n3A_97 = arith.select %and3A_94, %sub3A_96, %div3A_75 : i32
      %le3A = arith.cmpi sle, %select_n3A_97, %shift_right_arithmetic3A_11 : i32
      %jit3A_98 = arith.constant 1 : i32
      %jit3A_99 = arith.constant 0 : i32
      %select_n3A_100 = arith.select %le3A, %jit3A_98, %jit3A_99 : i32
      %add3A_101 = arith.addi %scan3A_70, %select_n3A_100 : i32
      scf.yield %add3A_101 : i32
    }
    %scan3A_18 = arith.constant 25 : i32
    %sub3A = arith.constant 51 : i32
    %sub3A_19 = arith.subi %sub3A, %scan3A_17 : i32
    %mul3A_20 = arith.muli %scan3A_17, %sub3A_19 : i32
    %jit3A = arith.constant 2 : i32
    %div3A = arith.divsi %mul3A_20, %jit3A : i32
    %sign3A = arith.constant 0 : i32
    %sign3A_21 = arith.cmpi sgt, %mul3A_20, %sign3A : i32
    %sign3A_22 = arith.extui %sign3A_21 : i1 to i32
    %sign3A_23 = arith.constant 0 : i32
    %sign3A_24 = arith.cmpi slt, %mul3A_20, %sign3A_23 : i32
    %sign3A_25 = arith.extui %sign3A_24 : i1 to i32
    %sign3A_26 = arith.subi %sign3A_22, %sign3A_25 : i32
    %sign3A_27 = arith.constant 0 : i32
    %sign3A_28 = arith.cmpi sgt, %jit3A, %sign3A_27 : i32
    %sign3A_29 = arith.extui %sign3A_28 : i1 to i32
    %sign3A_30 = arith.constant 0 : i32
    %sign3A_31 = arith.cmpi slt, %jit3A, %sign3A_30 : i32
    %sign3A_32 = arith.extui %sign3A_31 : i1 to i32
    %sign3A_33 = arith.subi %sign3A_29, %sign3A_32 : i32
    %ne3A = arith.cmpi ne, %sign3A_26, %sign3A_33 : i32
    %rem3A = arith.remsi %mul3A_20, %jit3A : i32
    %ne3A_34 = arith.constant 0 : i32
    %ne3A_35 = arith.cmpi ne, %rem3A, %ne3A_34 : i32
    %and3A_36 = arith.andi %ne3A, %ne3A_35 : i1
    %sub3A_37 = arith.constant 1 : i32
    %sub3A_38 = arith.subi %div3A, %sub3A_37 : i32
    %select_n3A = arith.select %and3A_36, %sub3A_38, %div3A : i32
    %sub3A_39 = arith.subi %shift_right_arithmetic3A_11, %select_n3A : i32
    %add3A_40 = arith.addi %sub3A_39, %scan3A_17 : i32
    %add3A_41 = arith.constant 1 : i32
    %add3A_42 = arith.addi %add3A_40, %add3A_41 : i32
    %while3A = arith.subi %shift_right_arithmetic3A_9, %shift_right_arithmetic3A_3 : i32
    %while3A_43 = arith.addi %shift_right_arithmetic3A_3, %while3A : i32
    %while3A_44 = arith.constant 1 : i32
    %while3A_45 = arith.divsi %while3A, %while3A_44 : i32
    %while3A_46 = arith.muli %while3A_45, %while3A_44 : i32
    %while3A_47 = arith.addi %shift_right_arithmetic3A_3, %while3A_46 : i32
    %while3A_48 = arith.constant 1 : i32
    %while3A_49:3 = scf.for %while3A_69 = %shift_right_arithmetic3A_3 to %while3A_47 step %while3A_48 iter_args(%while3A_70 = %scan3A_17, %while3A_71 = %add3A_42, %while3A_72 = %and3A_12) -> (i32, i32, i32)  : i32 {
      %shift_right_arithmetic3A_73 = arith.constant 1 : i32
      %shift_right_arithmetic3A_74 = arith.shrsi %while3A_69, %shift_right_arithmetic3A_73 : i32
      %mul3A_75 = arith.constant 3846 : i32
      %mul3A_76 = arith.muli %while3A_70, %mul3A_75 : i32
      %mul3A_77 = arith.constant 3846 : i32
      %mul3A_78 = arith.muli %while3A_71, %mul3A_77 : i32
      %shift_right_arithmetic3A_79 = arith.constant 7 : i32
      %shift_right_arithmetic3A_80 = arith.shrsi %mul3A_76, %shift_right_arithmetic3A_79 : i32
      %shift_left3A = arith.constant 7 : i32
      %shift_left3A_81 = arith.shli %shift_right_arithmetic3A_80, %shift_left3A : i32
      %min3A = arith.constant 96000 : i32
      %min3A_82 = arith.minsi %shift_left3A_81, %min3A : i32
      %shift_right_arithmetic3A_83 = arith.constant 7 : i32
      %shift_right_arithmetic3A_84 = arith.shrsi %mul3A_78, %shift_right_arithmetic3A_83 : i32
      %shift_left3A_85 = arith.constant 7 : i32
      %shift_left3A_86 = arith.shli %shift_right_arithmetic3A_84, %shift_left3A_85 : i32
      %min3A_87 = arith.constant 96000 : i32
      %min3A_88 = arith.minsi %shift_left3A_86, %min3A_87 : i32
      %sub3A_89 = arith.subi %mul3A_76, %min3A_82 : i32
      %sub3A_90 = arith.subi %mul3A_78, %min3A_88 : i32
      %multiple_of3A = tpu.assume_multiple %min3A_82, 128 : i32
      %multiple_of3A_91 = tpu.assume_multiple %min3A_88, 128 : i32
      %mul3A_92 = arith.constant 16 : i32
      %mul3A_93 = arith.muli %while3A_71, %mul3A_92 : i32
      %mul3A_94 = arith.constant 8 : i32
      %mul3A_95 = arith.muli %while3A_72, %mul3A_94 : i32
      %add3A_96 = arith.addi %mul3A_93, %mul3A_95 : i32
      %multiple_of3A_97 = tpu.assume_multiple %add3A_96, 8 : i32
      %mul3A_98 = arith.constant 16 : i32
      %mul3A_99 = arith.muli %while3A_70, %mul3A_98 : i32
      %mul3A_100 = arith.constant 8 : i32
      %mul3A_101 = arith.muli %while3A_72, %mul3A_100 : i32
      %add3A_102 = arith.addi %mul3A_99, %mul3A_101 : i32
      %multiple_of3A_103 = tpu.assume_multiple %add3A_102, 8 : i32
      %dma_start3A = tpu.memref_slice %arg2[%multiple_of3A_97, %multiple_of3A] : memref<416x99996xf32, #tpu.memory_space<hbm>> -> memref<8x4096xf32, #tpu.memory_space<hbm>>
      %dma_start3A_104 = tpu.memref_slice %arg2[%multiple_of3A_97, %multiple_of3A] : memref<416x99996xf32, #tpu.memory_space<hbm>> -> memref<8x4096xf32, #tpu.memory_space<hbm>>
      tpu.enqueue_dma source(%dma_start3A_104 : memref<8x4096xf32, #tpu.memory_space<hbm>>) target(%arg5 : memref<8x4096xf32, #tpu.memory_space<vmem>>) target_semaphore(%arg11 : memref<!tpu.dma_semaphore, #tpu.memory_space<semaphore_mem>>)
      %dma_start3A_105 = tpu.memref_slice %arg2[%multiple_of3A_103, %multiple_of3A_91] : memref<416x99996xf32, #tpu.memory_space<hbm>> -> memref<8x4096xf32, #tpu.memory_space<hbm>>
      %dma_start3A_106 = tpu.memref_slice %arg2[%multiple_of3A_103, %multiple_of3A_91] : memref<416x99996xf32, #tpu.memory_space<hbm>> -> memref<8x4096xf32, #tpu.memory_space<hbm>>
      tpu.enqueue_dma source(%dma_start3A_106 : memref<8x4096xf32, #tpu.memory_space<hbm>>) target(%arg6 : memref<8x4096xf32, #tpu.memory_space<vmem>>) target_semaphore(%arg12 : memref<!tpu.dma_semaphore, #tpu.memory_space<semaphore_mem>>)
      %eq3A = arith.constant 0 : i32
      %eq3A_107 = arith.cmpi eq, %while3A_72, %eq3A : i32
      %eq3A_108 = arith.cmpi eq, %while3A_69, %shift_right_arithmetic3A_3 : i32
      %or3A = arith.ori %eq3A_107, %eq3A_108 : i1
      %convert_element_type3A = arith.extui %or3A : i1 to i32
      %cond3A = arith.constant 0 : i32
      %cond3A_109 = arith.cmpi ne, %convert_element_type3A, %cond3A : i32
      scf.if %cond3A_109 {
        %dma_start3A_156 = arith.constant 0 : i32
        %dma_start3A_157 = tpu.memref_slice %arg3[%while3A_70, %dma_start3A_156] : memref<26x4096xi32, #tpu.memory_space<hbm>> -> memref<1x4096xi32, #tpu.memory_space<hbm>>
        %dma_start3A_158 = tpu.memref_squeeze %dma_start3A_157 : memref<1x4096xi32, #tpu.memory_space<hbm>> -> memref<4096xi32, #tpu.memory_space<hbm>>
        %dma_start3A_159 = arith.constant 0 : i32
        %dma_start3A_160 = tpu.memref_slice %arg3[%while3A_70, %dma_start3A_159] : memref<26x4096xi32, #tpu.memory_space<hbm>> -> memref<1x4096xi32, #tpu.memory_space<hbm>>
        %dma_start3A_161 = tpu.memref_squeeze %dma_start3A_160 : memref<1x4096xi32, #tpu.memory_space<hbm>> -> memref<4096xi32, #tpu.memory_space<hbm>>
        tpu.enqueue_dma source(%dma_start3A_161 : memref<4096xi32, #tpu.memory_space<hbm>>) target(%arg7 : memref<4096xi32, #tpu.memory_space<vmem>>) target_semaphore(%arg13 : memref<!tpu.dma_semaphore, #tpu.memory_space<semaphore_mem>>)
        %dma_start3A_162 = arith.constant 0 : i32
        %dma_start3A_163 = tpu.memref_slice %arg3[%while3A_71, %dma_start3A_162] : memref<26x4096xi32, #tpu.memory_space<hbm>> -> memref<1x4096xi32, #tpu.memory_space<hbm>>
        %dma_start3A_164 = tpu.memref_squeeze %dma_start3A_163 : memref<1x4096xi32, #tpu.memory_space<hbm>> -> memref<4096xi32, #tpu.memory_space<hbm>>
        %dma_start3A_165 = arith.constant 0 : i32
        %dma_start3A_166 = tpu.memref_slice %arg3[%while3A_71, %dma_start3A_165] : memref<26x4096xi32, #tpu.memory_space<hbm>> -> memref<1x4096xi32, #tpu.memory_space<hbm>>
        %dma_start3A_167 = tpu.memref_squeeze %dma_start3A_166 : memref<1x4096xi32, #tpu.memory_space<hbm>> -> memref<4096xi32, #tpu.memory_space<hbm>>
        tpu.enqueue_dma source(%dma_start3A_167 : memref<4096xi32, #tpu.memory_space<hbm>>) target(%arg8 : memref<4096xi32, #tpu.memory_space<vmem>>) target_semaphore(%arg13 : memref<!tpu.dma_semaphore, #tpu.memory_space<semaphore_mem>>)
        %dma_wait3A_168 = arith.constant 0 : i32
        %dma_wait3A_169 = tpu.memref_slice %arg3[%while3A_70, %dma_wait3A_168] : memref<26x4096xi32, #tpu.memory_space<hbm>> -> memref<1x4096xi32, #tpu.memory_space<hbm>>
        %dma_wait3A_170 = tpu.memref_squeeze %dma_wait3A_169 : memref<1x4096xi32, #tpu.memory_space<hbm>> -> memref<4096xi32, #tpu.memory_space<hbm>>
        %dma_wait3A_171 = arith.constant 0 : i32
        %dma_wait3A_172 = tpu.memref_slice %arg3[%while3A_70, %dma_wait3A_171] : memref<26x4096xi32, #tpu.memory_space<hbm>> -> memref<1x4096xi32, #tpu.memory_space<hbm>>
        %dma_wait3A_173 = tpu.memref_squeeze %dma_wait3A_172 : memref<1x4096xi32, #tpu.memory_space<hbm>> -> memref<4096xi32, #tpu.memory_space<hbm>>
        tpu.wait_dma2 semaphore(%arg13 : memref<!tpu.dma_semaphore, #tpu.memory_space<semaphore_mem>>) src(%dma_wait3A_173 : memref<4096xi32, #tpu.memory_space<hbm>>) dst(%arg7 : memref<4096xi32, #tpu.memory_space<vmem>>)
        %dma_wait3A_174 = arith.constant 0 : i32
        %dma_wait3A_175 = tpu.memref_slice %arg3[%while3A_71, %dma_wait3A_174] : memref<26x4096xi32, #tpu.memory_space<hbm>> -> memref<1x4096xi32, #tpu.memory_space<hbm>>
        %dma_wait3A_176 = tpu.memref_squeeze %dma_wait3A_175 : memref<1x4096xi32, #tpu.memory_space<hbm>> -> memref<4096xi32, #tpu.memory_space<hbm>>
        %dma_wait3A_177 = arith.constant 0 : i32
        %dma_wait3A_178 = tpu.memref_slice %arg3[%while3A_71, %dma_wait3A_177] : memref<26x4096xi32, #tpu.memory_space<hbm>> -> memref<1x4096xi32, #tpu.memory_space<hbm>>
        %dma_wait3A_179 = tpu.memref_squeeze %dma_wait3A_178 : memref<1x4096xi32, #tpu.memory_space<hbm>> -> memref<4096xi32, #tpu.memory_space<hbm>>
        tpu.wait_dma2 semaphore(%arg13 : memref<!tpu.dma_semaphore, #tpu.memory_space<semaphore_mem>>) src(%dma_wait3A_179 : memref<4096xi32, #tpu.memory_space<hbm>>) dst(%arg8 : memref<4096xi32, #tpu.memory_space<vmem>>)
      } else {
      }
      %dma_wait3A_110 = tpu.memref_slice %arg2[%multiple_of3A_97, %multiple_of3A] : memref<416x99996xf32, #tpu.memory_space<hbm>> -> memref<8x4096xf32, #tpu.memory_space<hbm>>
      %dma_wait3A_111 = tpu.memref_slice %arg2[%multiple_of3A_97, %multiple_of3A] : memref<416x99996xf32, #tpu.memory_space<hbm>> -> memref<8x4096xf32, #tpu.memory_space<hbm>>
      tpu.wait_dma2 semaphore(%arg11 : memref<!tpu.dma_semaphore, #tpu.memory_space<semaphore_mem>>) src(%dma_wait3A_111 : memref<8x4096xf32, #tpu.memory_space<hbm>>) dst(%arg5 : memref<8x4096xf32, #tpu.memory_space<vmem>>)
      %dma_wait3A_112 = tpu.memref_slice %arg2[%multiple_of3A_103, %multiple_of3A_91] : memref<416x99996xf32, #tpu.memory_space<hbm>> -> memref<8x4096xf32, #tpu.memory_space<hbm>>
      %dma_wait3A_113 = tpu.memref_slice %arg2[%multiple_of3A_103, %multiple_of3A_91] : memref<416x99996xf32, #tpu.memory_space<hbm>> -> memref<8x4096xf32, #tpu.memory_space<hbm>>
      tpu.wait_dma2 semaphore(%arg12 : memref<!tpu.dma_semaphore, #tpu.memory_space<semaphore_mem>>) src(%dma_wait3A_113 : memref<8x4096xf32, #tpu.memory_space<hbm>>) dst(%arg6 : memref<8x4096xf32, #tpu.memory_space<vmem>>)
      %mul3A_114 = arith.constant 8 : i32
      %mul3A_115 = arith.muli %while3A_72, %mul3A_114 : i32
      %gt3A = arith.cmpi sgt, %while3A_69, %shift_right_arithmetic3A_3 : i32
      %convert_element_type3A_116 = arith.extui %gt3A : i1 to i32
      %cond3A_117 = arith.constant 0 : i32
      %cond3A_118 = arith.cmpi ne, %convert_element_type3A_116, %cond3A_117 : i32
      scf.if %cond3A_118 {
        %dma_wait3A_156 = arith.constant 0 : i32
        %dma_wait3A_157 = tpu.memref_slice %arg4[%shift_right_arithmetic3A_74, %mul3A_115, %dma_wait3A_156] : memref<325x16x4096xf32, #tpu.memory_space<hbm>> -> memref<1x8x2048xf32, #tpu.memory_space<hbm>>
        %dma_wait3A_158 = tpu.memref_squeeze %dma_wait3A_157 : memref<1x8x2048xf32, #tpu.memory_space<hbm>> -> memref<8x2048xf32, #tpu.memory_space<hbm>>
        %dma_wait3A_159 = arith.constant 0 : i32
        %dma_wait3A_160 = tpu.memref_slice %arg4[%shift_right_arithmetic3A_74, %mul3A_115, %dma_wait3A_159] : memref<325x16x4096xf32, #tpu.memory_space<hbm>> -> memref<1x8x2048xf32, #tpu.memory_space<hbm>>
        %dma_wait3A_161 = tpu.memref_squeeze %dma_wait3A_160 : memref<1x8x2048xf32, #tpu.memory_space<hbm>> -> memref<8x2048xf32, #tpu.memory_space<hbm>>
        tpu.wait_dma2 semaphore(%arg14 : memref<!tpu.dma_semaphore, #tpu.memory_space<semaphore_mem>>) src(%arg9 : memref<8x2048xf32, #tpu.memory_space<vmem>>) dst(%dma_wait3A_161 : memref<8x2048xf32, #tpu.memory_space<hbm>>)
      } else {
      }
      %parallel_loop3A = arith.constant 0 : i32
      %parallel_loop3A_119 = arith.constant 128 : i32
      %parallel_loop3A_120 = arith.constant 1 : i32
      scf.for %parallel_loop3A_156 = %parallel_loop3A to %parallel_loop3A_119 step %parallel_loop3A_120  : i32 {
        %parallel_loop3A_157 = arith.constant 16 : i32
        %parallel_loop3A_158 = arith.muli %parallel_loop3A_156, %parallel_loop3A_157 : i32
        %parallel_loop3A_159 = arith.constant 16 : i32
        %parallel_loop3A_160 = arith.muli %parallel_loop3A_156, %parallel_loop3A_159 : i32
        %parallel_loop3A_161 = arith.constant 0 : i32
        %parallel_loop3A_162 = arith.addi %parallel_loop3A_161, %parallel_loop3A_160 : i32
        %parallel_loop3A_163 = arith.index_cast %parallel_loop3A_162 : i32 to index
        %parallel_loop3A_164 = tpu.vector_load %arg7[%parallel_loop3A_163] {strides = array<i32>} : memref<4096xi32, #tpu.memory_space<vmem>>, vector<16xi32>,
        %parallel_loop3A_165 = vector.broadcast %sub3A_89 : i32 to vector<16xi32>
        %parallel_loop3A_166 = arith.addi %parallel_loop3A_164, %parallel_loop3A_165 : vector<16xi32>
        %parallel_loop3A_167 = arith.index_cast %parallel_loop3A_162 : i32 to index
        %parallel_loop3A_168 = tpu.vector_load %arg8[%parallel_loop3A_167] {strides = array<i32>} : memref<4096xi32, #tpu.memory_space<vmem>>, vector<16xi32>,
        %parallel_loop3A_169 = vector.broadcast %sub3A_90 : i32 to vector<16xi32>
        %parallel_loop3A_170 = arith.addi %parallel_loop3A_168, %parallel_loop3A_169 : vector<16xi32>
        %parallel_loop3A_171 = arith.constant 0 : i32
        %parallel_loop3A_172 = vector.broadcast %parallel_loop3A_171 : i32 to vector<16xi32>
        %parallel_loop3A_173 = tpu.vector_load_idx %arg5[%parallel_loop3A_172, %parallel_loop3A_166] : memref<8x4096xf32, #tpu.memory_space<vmem>>[vector<16xi32>, vector<16xi32>], vector<16xf32>,
        %parallel_loop3A_174 = tpu.vector_load_idx %arg6[%parallel_loop3A_172, %parallel_loop3A_170] : memref<8x4096xf32, #tpu.memory_space<vmem>>[vector<16xi32>, vector<16xi32>], vector<16xf32>,
        %parallel_loop3A_175 = arith.mulf %parallel_loop3A_173, %parallel_loop3A_174 : vector<16xf32>
        %parallel_loop3A_176 = arith.constant 0 : i32
        %parallel_loop3A_177 = arith.index_cast %parallel_loop3A_176 : i32 to index
        %parallel_loop3A_178 = arith.index_cast %parallel_loop3A_158 : i32 to index
        %parallel_loop3A_179 = tpu.vector_load %arg9[%parallel_loop3A_177, %parallel_loop3A_178] {strides = array<i32>} : memref<8x2048xf32, #tpu.memory_space<vmem>>, vector<16xf32>,
        tpu.vector_store %arg9[%parallel_loop3A_177, %parallel_loop3A_178], %parallel_loop3A_175 {strides = array<i32>} : memref<8x2048xf32, #tpu.memory_space<vmem>>, vector<16xf32>,
        %parallel_loop3A_180 = arith.constant 1 : i32
        %parallel_loop3A_181 = vector.broadcast %parallel_loop3A_180 : i32 to vector<16xi32>
        %parallel_loop3A_182 = tpu.vector_load_idx %arg5[%parallel_loop3A_181, %parallel_loop3A_166] : memref<8x4096xf32, #tpu.memory_space<vmem>>[vector<16xi32>, vector<16xi32>], vector<16xf32>,
        %parallel_loop3A_183 = tpu.vector_load_idx %arg6[%parallel_loop3A_181, %parallel_loop3A_170] : memref<8x4096xf32, #tpu.memory_space<vmem>>[vector<16xi32>, vector<16xi32>], vector<16xf32>,
        %parallel_loop3A_184 = arith.mulf %parallel_loop3A_182, %parallel_loop3A_183 : vector<16xf32>
        %parallel_loop3A_185 = arith.constant 1 : i32
        %parallel_loop3A_186 = arith.index_cast %parallel_loop3A_185 : i32 to index
        %parallel_loop3A_187 = arith.index_cast %parallel_loop3A_158 : i32 to index
        %parallel_loop3A_188 = tpu.vector_load %arg9[%parallel_loop3A_186, %parallel_loop3A_187] {strides = array<i32>} : memref<8x2048xf32, #tpu.memory_space<vmem>>, vector<16xf32>,
        tpu.vector_store %arg9[%parallel_loop3A_186, %parallel_loop3A_187], %parallel_loop3A_184 {strides = array<i32>} : memref<8x2048xf32, #tpu.memory_space<vmem>>, vector<16xf32>,
        %parallel_loop3A_189 = arith.constant 2 : i32
        %parallel_loop3A_190 = vector.broadcast %parallel_loop3A_189 : i32 to vector<16xi32>
        %parallel_loop3A_191 = tpu.vector_load_idx %arg5[%parallel_loop3A_190, %parallel_loop3A_166] : memref<8x4096xf32, #tpu.memory_space<vmem>>[vector<16xi32>, vector<16xi32>], vector<16xf32>,
        %parallel_loop3A_192 = tpu.vector_load_idx %arg6[%parallel_loop3A_190, %parallel_loop3A_170] : memref<8x4096xf32, #tpu.memory_space<vmem>>[vector<16xi32>, vector<16xi32>], vector<16xf32>,
        %parallel_loop3A_193 = arith.mulf %parallel_loop3A_191, %parallel_loop3A_192 : vector<16xf32>
        %parallel_loop3A_194 = arith.constant 2 : i32
        %parallel_loop3A_195 = arith.index_cast %parallel_loop3A_194 : i32 to index
        %parallel_loop3A_196 = arith.index_cast %parallel_loop3A_158 : i32 to index
        %parallel_loop3A_197 = tpu.vector_load %arg9[%parallel_loop3A_195, %parallel_loop3A_196] {strides = array<i32>} : memref<8x2048xf32, #tpu.memory_space<vmem>>, vector<16xf32>,
        tpu.vector_store %arg9[%parallel_loop3A_195, %parallel_loop3A_196], %parallel_loop3A_193 {strides = array<i32>} : memref<8x2048xf32, #tpu.memory_space<vmem>>, vector<16xf32>,
        %parallel_loop3A_198 = arith.constant 3 : i32
        %parallel_loop3A_199 = vector.broadcast %parallel_loop3A_198 : i32 to vector<16xi32>
        %parallel_loop3A_200 = tpu.vector_load_idx %arg5[%parallel_loop3A_199, %parallel_loop3A_166] : memref<8x4096xf32, #tpu.memory_space<vmem>>[vector<16xi32>, vector<16xi32>], vector<16xf32>,
        %parallel_loop3A_201 = tpu.vector_load_idx %arg6[%parallel_loop3A_199, %parallel_loop3A_170] : memref<8x4096xf32, #tpu.memory_space<vmem>>[vector<16xi32>, vector<16xi32>], vector<16xf32>,
        %parallel_loop3A_202 = arith.mulf %parallel_loop3A_200, %parallel_loop3A_201 : vector<16xf32>
        %parallel_loop3A_203 = arith.constant 3 : i32
        %parallel_loop3A_204 = arith.index_cast %parallel_loop3A_203 : i32 to index
        %parallel_loop3A_205 = arith.index_cast %parallel_loop3A_158 : i32 to index
        %parallel_loop3A_206 = tpu.vector_load %arg9[%parallel_loop3A_204, %parallel_loop3A_205] {strides = array<i32>} : memref<8x2048xf32, #tpu.memory_space<vmem>>, vector<16xf32>,
        tpu.vector_store %arg9[%parallel_loop3A_204, %parallel_loop3A_205], %parallel_loop3A_202 {strides = array<i32>} : memref<8x2048xf32, #tpu.memory_space<vmem>>, vector<16xf32>,
        %parallel_loop3A_207 = arith.constant 4 : i32
        %parallel_loop3A_208 = vector.broadcast %parallel_loop3A_207 : i32 to vector<16xi32>
        %parallel_loop3A_209 = tpu.vector_load_idx %arg5[%parallel_loop3A_208, %parallel_loop3A_166] : memref<8x4096xf32, #tpu.memory_space<vmem>>[vector<16xi32>, vector<16xi32>], vector<16xf32>,
        %parallel_loop3A_210 = tpu.vector_load_idx %arg6[%parallel_loop3A_208, %parallel_loop3A_170] : memref<8x4096xf32, #tpu.memory_space<vmem>>[vector<16xi32>, vector<16xi32>], vector<16xf32>,
        %parallel_loop3A_211 = arith.mulf %parallel_loop3A_209, %parallel_loop3A_210 : vector<16xf32>
        %parallel_loop3A_212 = arith.constant 4 : i32
        %parallel_loop3A_213 = arith.index_cast %parallel_loop3A_212 : i32 to index
        %parallel_loop3A_214 = arith.index_cast %parallel_loop3A_158 : i32 to index
        %parallel_loop3A_215 = tpu.vector_load %arg9[%parallel_loop3A_213, %parallel_loop3A_214] {strides = array<i32>} : memref<8x2048xf32, #tpu.memory_space<vmem>>, vector<16xf32>,
        tpu.vector_store %arg9[%parallel_loop3A_213, %parallel_loop3A_214], %parallel_loop3A_211 {strides = array<i32>} : memref<8x2048xf32, #tpu.memory_space<vmem>>, vector<16xf32>,
        %parallel_loop3A_216 = arith.constant 5 : i32
        %parallel_loop3A_217 = vector.broadcast %parallel_loop3A_216 : i32 to vector<16xi32>
        %parallel_loop3A_218 = tpu.vector_load_idx %arg5[%parallel_loop3A_217, %parallel_loop3A_166] : memref<8x4096xf32, #tpu.memory_space<vmem>>[vector<16xi32>, vector<16xi32>], vector<16xf32>,
        %parallel_loop3A_219 = tpu.vector_load_idx %arg6[%parallel_loop3A_217, %parallel_loop3A_170] : memref<8x4096xf32, #tpu.memory_space<vmem>>[vector<16xi32>, vector<16xi32>], vector<16xf32>,
        %parallel_loop3A_220 = arith.mulf %parallel_loop3A_218, %parallel_loop3A_219 : vector<16xf32>
        %parallel_loop3A_221 = arith.constant 5 : i32
        %parallel_loop3A_222 = arith.index_cast %parallel_loop3A_221 : i32 to index
        %parallel_loop3A_223 = arith.index_cast %parallel_loop3A_158 : i32 to index
        %parallel_loop3A_224 = tpu.vector_load %arg9[%parallel_loop3A_222, %parallel_loop3A_223] {strides = array<i32>} : memref<8x2048xf32, #tpu.memory_space<vmem>>, vector<16xf32>,
        tpu.vector_store %arg9[%parallel_loop3A_222, %parallel_loop3A_223], %parallel_loop3A_220 {strides = array<i32>} : memref<8x2048xf32, #tpu.memory_space<vmem>>, vector<16xf32>,
        %parallel_loop3A_225 = arith.constant 6 : i32
        %parallel_loop3A_226 = vector.broadcast %parallel_loop3A_225 : i32 to vector<16xi32>
        %parallel_loop3A_227 = tpu.vector_load_idx %arg5[%parallel_loop3A_226, %parallel_loop3A_166] : memref<8x4096xf32, #tpu.memory_space<vmem>>[vector<16xi32>, vector<16xi32>], vector<16xf32>,
        %parallel_loop3A_228 = tpu.vector_load_idx %arg6[%parallel_loop3A_226, %parallel_loop3A_170] : memref<8x4096xf32, #tpu.memory_space<vmem>>[vector<16xi32>, vector<16xi32>], vector<16xf32>,
        %parallel_loop3A_229 = arith.mulf %parallel_loop3A_227, %parallel_loop3A_228 : vector<16xf32>
        %parallel_loop3A_230 = arith.constant 6 : i32
        %parallel_loop3A_231 = arith.index_cast %parallel_loop3A_230 : i32 to index
        %parallel_loop3A_232 = arith.index_cast %parallel_loop3A_158 : i32 to index
        %parallel_loop3A_233 = tpu.vector_load %arg9[%parallel_loop3A_231, %parallel_loop3A_232] {strides = array<i32>} : memref<8x2048xf32, #tpu.memory_space<vmem>>, vector<16xf32>,
        tpu.vector_store %arg9[%parallel_loop3A_231, %parallel_loop3A_232], %parallel_loop3A_229 {strides = array<i32>} : memref<8x2048xf32, #tpu.memory_space<vmem>>, vector<16xf32>,
        %parallel_loop3A_234 = arith.constant 7 : i32
        %parallel_loop3A_235 = vector.broadcast %parallel_loop3A_234 : i32 to vector<16xi32>
        %parallel_loop3A_236 = tpu.vector_load_idx %arg5[%parallel_loop3A_235, %parallel_loop3A_166] : memref<8x4096xf32, #tpu.memory_space<vmem>>[vector<16xi32>, vector<16xi32>], vector<16xf32>,
        %parallel_loop3A_237 = tpu.vector_load_idx %arg6[%parallel_loop3A_235, %parallel_loop3A_170] : memref<8x4096xf32, #tpu.memory_space<vmem>>[vector<16xi32>, vector<16xi32>], vector<16xf32>,
        %parallel_loop3A_238 = arith.mulf %parallel_loop3A_236, %parallel_loop3A_237 : vector<16xf32>
        %parallel_loop3A_239 = arith.constant 7 : i32
        %parallel_loop3A_240 = arith.index_cast %parallel_loop3A_239 : i32 to index
        %parallel_loop3A_241 = arith.index_cast %parallel_loop3A_158 : i32 to index
        %parallel_loop3A_242 = tpu.vector_load %arg9[%parallel_loop3A_240, %parallel_loop3A_241] {strides = array<i32>} : memref<8x2048xf32, #tpu.memory_space<vmem>>, vector<16xf32>,
        tpu.vector_store %arg9[%parallel_loop3A_240, %parallel_loop3A_241], %parallel_loop3A_238 {strides = array<i32>} : memref<8x2048xf32, #tpu.memory_space<vmem>>, vector<16xf32>,
      } {sc.loop_unroll_factor = 4 : i64, sc.parallel_access}
      %dma_start3A_121 = arith.constant 0 : i32
      %dma_start3A_122 = tpu.memref_slice %arg4[%shift_right_arithmetic3A_74, %mul3A_115, %dma_start3A_121] : memref<325x16x4096xf32, #tpu.memory_space<hbm>> -> memref<1x8x2048xf32, #tpu.memory_space<hbm>>
      %dma_start3A_123 = tpu.memref_squeeze %dma_start3A_122 : memref<1x8x2048xf32, #tpu.memory_space<hbm>> -> memref<8x2048xf32, #tpu.memory_space<hbm>>
      %dma_start3A_124 = arith.constant 0 : i32
      %dma_start3A_125 = tpu.memref_slice %arg4[%shift_right_arithmetic3A_74, %mul3A_115, %dma_start3A_124] : memref<325x16x4096xf32, #tpu.memory_space<hbm>> -> memref<1x8x2048xf32, #tpu.memory_space<hbm>>
      %dma_start3A_126 = tpu.memref_squeeze %dma_start3A_125 : memref<1x8x2048xf32, #tpu.memory_space<hbm>> -> memref<8x2048xf32, #tpu.memory_space<hbm>>
      tpu.enqueue_dma source(%arg9 : memref<8x2048xf32, #tpu.memory_space<vmem>>) target(%dma_start3A_126 : memref<8x2048xf32, #tpu.memory_space<hbm>>) target_semaphore(%arg14 : memref<!tpu.dma_semaphore, #tpu.memory_space<semaphore_mem>>)
      %gt3A_127 = arith.cmpi sgt, %while3A_69, %shift_right_arithmetic3A_3 : i32
      %convert_element_type3A_128 = arith.extui %gt3A_127 : i1 to i32
      %cond3A_129 = arith.constant 0 : i32
      %cond3A_130 = arith.cmpi ne, %convert_element_type3A_128, %cond3A_129 : i32
      scf.if %cond3A_130 {
        %dma_wait3A_156 = arith.constant 2048 : i32
        %dma_wait3A_157 = tpu.memref_slice %arg4[%shift_right_arithmetic3A_74, %mul3A_115, %dma_wait3A_156] : memref<325x16x4096xf32, #tpu.memory_space<hbm>> -> memref<1x8x2048xf32, #tpu.memory_space<hbm>>
        %dma_wait3A_158 = tpu.memref_squeeze %dma_wait3A_157 : memref<1x8x2048xf32, #tpu.memory_space<hbm>> -> memref<8x2048xf32, #tpu.memory_space<hbm>>
        %dma_wait3A_159 = arith.constant 2048 : i32
        %dma_wait3A_160 = tpu.memref_slice %arg4[%shift_right_arithmetic3A_74, %mul3A_115, %dma_wait3A_159] : memref<325x16x4096xf32, #tpu.memory_space<hbm>> -> memref<1x8x2048xf32, #tpu.memory_space<hbm>>
        %dma_wait3A_161 = tpu.memref_squeeze %dma_wait3A_160 : memref<1x8x2048xf32, #tpu.memory_space<hbm>> -> memref<8x2048xf32, #tpu.memory_space<hbm>>
        tpu.wait_dma2 semaphore(%arg14 : memref<!tpu.dma_semaphore, #tpu.memory_space<semaphore_mem>>) src(%arg10 : memref<8x2048xf32, #tpu.memory_space<vmem>>) dst(%dma_wait3A_161 : memref<8x2048xf32, #tpu.memory_space<hbm>>)
      } else {
      }
      %parallel_loop3A_131 = arith.constant 0 : i32
      %parallel_loop3A_132 = arith.constant 128 : i32
      %parallel_loop3A_133 = arith.constant 1 : i32
      scf.for %parallel_loop3A_156 = %parallel_loop3A_131 to %parallel_loop3A_132 step %parallel_loop3A_133  : i32 {
        %parallel_loop3A_157 = arith.constant 16 : i32
        %parallel_loop3A_158 = arith.muli %parallel_loop3A_156, %parallel_loop3A_157 : i32
        %parallel_loop3A_159 = arith.constant 16 : i32
        %parallel_loop3A_160 = arith.muli %parallel_loop3A_156, %parallel_loop3A_159 : i32
        %parallel_loop3A_161 = arith.constant 2048 : i32
        %parallel_loop3A_162 = arith.addi %parallel_loop3A_161, %parallel_loop3A_160 : i32
        %parallel_loop3A_163 = arith.index_cast %parallel_loop3A_162 : i32 to index
        %parallel_loop3A_164 = tpu.vector_load %arg7[%parallel_loop3A_163] {strides = array<i32>} : memref<4096xi32, #tpu.memory_space<vmem>>, vector<16xi32>,
        %parallel_loop3A_165 = vector.broadcast %sub3A_89 : i32 to vector<16xi32>
        %parallel_loop3A_166 = arith.addi %parallel_loop3A_164, %parallel_loop3A_165 : vector<16xi32>
        %parallel_loop3A_167 = arith.index_cast %parallel_loop3A_162 : i32 to index
        %parallel_loop3A_168 = tpu.vector_load %arg8[%parallel_loop3A_167] {strides = array<i32>} : memref<4096xi32, #tpu.memory_space<vmem>>, vector<16xi32>,
        %parallel_loop3A_169 = vector.broadcast %sub3A_90 : i32 to vector<16xi32>
        %parallel_loop3A_170 = arith.addi %parallel_loop3A_168, %parallel_loop3A_169 : vector<16xi32>
        %parallel_loop3A_171 = arith.constant 0 : i32
        %parallel_loop3A_172 = vector.broadcast %parallel_loop3A_171 : i32 to vector<16xi32>
        %parallel_loop3A_173 = tpu.vector_load_idx %arg5[%parallel_loop3A_172, %parallel_loop3A_166] : memref<8x4096xf32, #tpu.memory_space<vmem>>[vector<16xi32>, vector<16xi32>], vector<16xf32>,
        %parallel_loop3A_174 = tpu.vector_load_idx %arg6[%parallel_loop3A_172, %parallel_loop3A_170] : memref<8x4096xf32, #tpu.memory_space<vmem>>[vector<16xi32>, vector<16xi32>], vector<16xf32>,
        %parallel_loop3A_175 = arith.mulf %parallel_loop3A_173, %parallel_loop3A_174 : vector<16xf32>
        %parallel_loop3A_176 = arith.constant 0 : i32
        %parallel_loop3A_177 = arith.index_cast %parallel_loop3A_176 : i32 to index
        %parallel_loop3A_178 = arith.index_cast %parallel_loop3A_158 : i32 to index
        %parallel_loop3A_179 = tpu.vector_load %arg10[%parallel_loop3A_177, %parallel_loop3A_178] {strides = array<i32>} : memref<8x2048xf32, #tpu.memory_space<vmem>>, vector<16xf32>,
        tpu.vector_store %arg10[%parallel_loop3A_177, %parallel_loop3A_178], %parallel_loop3A_175 {strides = array<i32>} : memref<8x2048xf32, #tpu.memory_space<vmem>>, vector<16xf32>,
        %parallel_loop3A_180 = arith.constant 1 : i32
        %parallel_loop3A_181 = vector.broadcast %parallel_loop3A_180 : i32 to vector<16xi32>
        %parallel_loop3A_182 = tpu.vector_load_idx %arg5[%parallel_loop3A_181, %parallel_loop3A_166] : memref<8x4096xf32, #tpu.memory_space<vmem>>[vector<16xi32>, vector<16xi32>], vector<16xf32>,
        %parallel_loop3A_183 = tpu.vector_load_idx %arg6[%parallel_loop3A_181, %parallel_loop3A_170] : memref<8x4096xf32, #tpu.memory_space<vmem>>[vector<16xi32>, vector<16xi32>], vector<16xf32>,
        %parallel_loop3A_184 = arith.mulf %parallel_loop3A_182, %parallel_loop3A_183 : vector<16xf32>
        %parallel_loop3A_185 = arith.constant 1 : i32
        %parallel_loop3A_186 = arith.index_cast %parallel_loop3A_185 : i32 to index
        %parallel_loop3A_187 = arith.index_cast %parallel_loop3A_158 : i32 to index
        %parallel_loop3A_188 = tpu.vector_load %arg10[%parallel_loop3A_186, %parallel_loop3A_187] {strides = array<i32>} : memref<8x2048xf32, #tpu.memory_space<vmem>>, vector<16xf32>,
        tpu.vector_store %arg10[%parallel_loop3A_186, %parallel_loop3A_187], %parallel_loop3A_184 {strides = array<i32>} : memref<8x2048xf32, #tpu.memory_space<vmem>>, vector<16xf32>,
        %parallel_loop3A_189 = arith.constant 2 : i32
        %parallel_loop3A_190 = vector.broadcast %parallel_loop3A_189 : i32 to vector<16xi32>
        %parallel_loop3A_191 = tpu.vector_load_idx %arg5[%parallel_loop3A_190, %parallel_loop3A_166] : memref<8x4096xf32, #tpu.memory_space<vmem>>[vector<16xi32>, vector<16xi32>], vector<16xf32>,
        %parallel_loop3A_192 = tpu.vector_load_idx %arg6[%parallel_loop3A_190, %parallel_loop3A_170] : memref<8x4096xf32, #tpu.memory_space<vmem>>[vector<16xi32>, vector<16xi32>], vector<16xf32>,
        %parallel_loop3A_193 = arith.mulf %parallel_loop3A_191, %parallel_loop3A_192 : vector<16xf32>
        %parallel_loop3A_194 = arith.constant 2 : i32
        %parallel_loop3A_195 = arith.index_cast %parallel_loop3A_194 : i32 to index
        %parallel_loop3A_196 = arith.index_cast %parallel_loop3A_158 : i32 to index
        %parallel_loop3A_197 = tpu.vector_load %arg10[%parallel_loop3A_195, %parallel_loop3A_196] {strides = array<i32>} : memref<8x2048xf32, #tpu.memory_space<vmem>>, vector<16xf32>,
        tpu.vector_store %arg10[%parallel_loop3A_195, %parallel_loop3A_196], %parallel_loop3A_193 {strides = array<i32>} : memref<8x2048xf32, #tpu.memory_space<vmem>>, vector<16xf32>,
        %parallel_loop3A_198 = arith.constant 3 : i32
        %parallel_loop3A_199 = vector.broadcast %parallel_loop3A_198 : i32 to vector<16xi32>
        %parallel_loop3A_200 = tpu.vector_load_idx %arg5[%parallel_loop3A_199, %parallel_loop3A_166] : memref<8x4096xf32, #tpu.memory_space<vmem>>[vector<16xi32>, vector<16xi32>], vector<16xf32>,
        %parallel_loop3A_201 = tpu.vector_load_idx %arg6[%parallel_loop3A_199, %parallel_loop3A_170] : memref<8x4096xf32, #tpu.memory_space<vmem>>[vector<16xi32>, vector<16xi32>], vector<16xf32>,
        %parallel_loop3A_202 = arith.mulf %parallel_loop3A_200, %parallel_loop3A_201 : vector<16xf32>
        %parallel_loop3A_203 = arith.constant 3 : i32
        %parallel_loop3A_204 = arith.index_cast %parallel_loop3A_203 : i32 to index
        %parallel_loop3A_205 = arith.index_cast %parallel_loop3A_158 : i32 to index
        %parallel_loop3A_206 = tpu.vector_load %arg10[%parallel_loop3A_204, %parallel_loop3A_205] {strides = array<i32>} : memref<8x2048xf32, #tpu.memory_space<vmem>>, vector<16xf32>,
        tpu.vector_store %arg10[%parallel_loop3A_204, %parallel_loop3A_205], %parallel_loop3A_202 {strides = array<i32>} : memref<8x2048xf32, #tpu.memory_space<vmem>>, vector<16xf32>,
        %parallel_loop3A_207 = arith.constant 4 : i32
        %parallel_loop3A_208 = vector.broadcast %parallel_loop3A_207 : i32 to vector<16xi32>
        %parallel_loop3A_209 = tpu.vector_load_idx %arg5[%parallel_loop3A_208, %parallel_loop3A_166] : memref<8x4096xf32, #tpu.memory_space<vmem>>[vector<16xi32>, vector<16xi32>], vector<16xf32>,
        %parallel_loop3A_210 = tpu.vector_load_idx %arg6[%parallel_loop3A_208, %parallel_loop3A_170] : memref<8x4096xf32, #tpu.memory_space<vmem>>[vector<16xi32>, vector<16xi32>], vector<16xf32>,
        %parallel_loop3A_211 = arith.mulf %parallel_loop3A_209, %parallel_loop3A_210 : vector<16xf32>
        %parallel_loop3A_212 = arith.constant 4 : i32
        %parallel_loop3A_213 = arith.index_cast %parallel_loop3A_212 : i32 to index
        %parallel_loop3A_214 = arith.index_cast %parallel_loop3A_158 : i32 to index
        %parallel_loop3A_215 = tpu.vector_load %arg10[%parallel_loop3A_213, %parallel_loop3A_214] {strides = array<i32>} : memref<8x2048xf32, #tpu.memory_space<vmem>>, vector<16xf32>,
        tpu.vector_store %arg10[%parallel_loop3A_213, %parallel_loop3A_214], %parallel_loop3A_211 {strides = array<i32>} : memref<8x2048xf32, #tpu.memory_space<vmem>>, vector<16xf32>,
        %parallel_loop3A_216 = arith.constant 5 : i32
        %parallel_loop3A_217 = vector.broadcast %parallel_loop3A_216 : i32 to vector<16xi32>
        %parallel_loop3A_218 = tpu.vector_load_idx %arg5[%parallel_loop3A_217, %parallel_loop3A_166] : memref<8x4096xf32, #tpu.memory_space<vmem>>[vector<16xi32>, vector<16xi32>], vector<16xf32>,
        %parallel_loop3A_219 = tpu.vector_load_idx %arg6[%parallel_loop3A_217, %parallel_loop3A_170] : memref<8x4096xf32, #tpu.memory_space<vmem>>[vector<16xi32>, vector<16xi32>], vector<16xf32>,
        %parallel_loop3A_220 = arith.mulf %parallel_loop3A_218, %parallel_loop3A_219 : vector<16xf32>
        %parallel_loop3A_221 = arith.constant 5 : i32
        %parallel_loop3A_222 = arith.index_cast %parallel_loop3A_221 : i32 to index
        %parallel_loop3A_223 = arith.index_cast %parallel_loop3A_158 : i32 to index
        %parallel_loop3A_224 = tpu.vector_load %arg10[%parallel_loop3A_222, %parallel_loop3A_223] {strides = array<i32>} : memref<8x2048xf32, #tpu.memory_space<vmem>>, vector<16xf32>,
        tpu.vector_store %arg10[%parallel_loop3A_222, %parallel_loop3A_223], %parallel_loop3A_220 {strides = array<i32>} : memref<8x2048xf32, #tpu.memory_space<vmem>>, vector<16xf32>,
        %parallel_loop3A_225 = arith.constant 6 : i32
        %parallel_loop3A_226 = vector.broadcast %parallel_loop3A_225 : i32 to vector<16xi32>
        %parallel_loop3A_227 = tpu.vector_load_idx %arg5[%parallel_loop3A_226, %parallel_loop3A_166] : memref<8x4096xf32, #tpu.memory_space<vmem>>[vector<16xi32>, vector<16xi32>], vector<16xf32>,
        %parallel_loop3A_228 = tpu.vector_load_idx %arg6[%parallel_loop3A_226, %parallel_loop3A_170] : memref<8x4096xf32, #tpu.memory_space<vmem>>[vector<16xi32>, vector<16xi32>], vector<16xf32>,
        %parallel_loop3A_229 = arith.mulf %parallel_loop3A_227, %parallel_loop3A_228 : vector<16xf32>
        %parallel_loop3A_230 = arith.constant 6 : i32
        %parallel_loop3A_231 = arith.index_cast %parallel_loop3A_230 : i32 to index
        %parallel_loop3A_232 = arith.index_cast %parallel_loop3A_158 : i32 to index
        %parallel_loop3A_233 = tpu.vector_load %arg10[%parallel_loop3A_231, %parallel_loop3A_232] {strides = array<i32>} : memref<8x2048xf32, #tpu.memory_space<vmem>>, vector<16xf32>,
        tpu.vector_store %arg10[%parallel_loop3A_231, %parallel_loop3A_232], %parallel_loop3A_229 {strides = array<i32>} : memref<8x2048xf32, #tpu.memory_space<vmem>>, vector<16xf32>,
        %parallel_loop3A_234 = arith.constant 7 : i32
        %parallel_loop3A_235 = vector.broadcast %parallel_loop3A_234 : i32 to vector<16xi32>
        %parallel_loop3A_236 = tpu.vector_load_idx %arg5[%parallel_loop3A_235, %parallel_loop3A_166] : memref<8x4096xf32, #tpu.memory_space<vmem>>[vector<16xi32>, vector<16xi32>], vector<16xf32>,
        %parallel_loop3A_237 = tpu.vector_load_idx %arg6[%parallel_loop3A_235, %parallel_loop3A_170] : memref<8x4096xf32, #tpu.memory_space<vmem>>[vector<16xi32>, vector<16xi32>], vector<16xf32>,
        %parallel_loop3A_238 = arith.mulf %parallel_loop3A_236, %parallel_loop3A_237 : vector<16xf32>
        %parallel_loop3A_239 = arith.constant 7 : i32
        %parallel_loop3A_240 = arith.index_cast %parallel_loop3A_239 : i32 to index
        %parallel_loop3A_241 = arith.index_cast %parallel_loop3A_158 : i32 to index
        %parallel_loop3A_242 = tpu.vector_load %arg10[%parallel_loop3A_240, %parallel_loop3A_241] {strides = array<i32>} : memref<8x2048xf32, #tpu.memory_space<vmem>>, vector<16xf32>,
        tpu.vector_store %arg10[%parallel_loop3A_240, %parallel_loop3A_241], %parallel_loop3A_238 {strides = array<i32>} : memref<8x2048xf32, #tpu.memory_space<vmem>>, vector<16xf32>,
      } {sc.loop_unroll_factor = 4 : i64, sc.parallel_access}
      %dma_start3A_134 = arith.constant 2048 : i32
      %dma_start3A_135 = tpu.memref_slice %arg4[%shift_right_arithmetic3A_74, %mul3A_115, %dma_start3A_134] : memref<325x16x4096xf32, #tpu.memory_space<hbm>> -> memref<1x8x2048xf32, #tpu.memory_space<hbm>>
      %dma_start3A_136 = tpu.memref_squeeze %dma_start3A_135 : memref<1x8x2048xf32, #tpu.memory_space<hbm>> -> memref<8x2048xf32, #tpu.memory_space<hbm>>
      %dma_start3A_137 = arith.constant 2048 : i32
      %dma_start3A_138 = tpu.memref_slice %arg4[%shift_right_arithmetic3A_74, %mul3A_115, %dma_start3A_137] : memref<325x16x4096xf32, #tpu.memory_space<hbm>> -> memref<1x8x2048xf32, #tpu.memory_space<hbm>>
      %dma_start3A_139 = tpu.memref_squeeze %dma_start3A_138 : memref<1x8x2048xf32, #tpu.memory_space<hbm>> -> memref<8x2048xf32, #tpu.memory_space<hbm>>
      tpu.enqueue_dma source(%arg10 : memref<8x2048xf32, #tpu.memory_space<vmem>>) target(%dma_start3A_139 : memref<8x2048xf32, #tpu.memory_space<hbm>>) target_semaphore(%arg14 : memref<!tpu.dma_semaphore, #tpu.memory_space<semaphore_mem>>)
      %add3A_140 = arith.constant 1 : i32
      %add3A_141 = arith.addi %while3A_72, %add3A_140 : i32
      %ge3A = arith.constant 2 : i32
      %ge3A_142 = arith.cmpi sge, %add3A_141, %ge3A : i32
      %jit3A_143 = arith.constant 0 : i32
      %select_n3A_144 = arith.select %ge3A_142, %jit3A_143, %add3A_141 : i32
      %add3A_145 = arith.constant 1 : i32
      %add3A_146 = arith.addi %while3A_71, %add3A_145 : i32
      %select_n3A_147 = arith.select %ge3A_142, %add3A_146, %while3A_71 : i32
      %ge3A_148 = arith.constant 26 : i32
      %ge3A_149 = arith.cmpi sge, %select_n3A_147, %ge3A_148 : i32
      %add3A_150 = arith.constant 1 : i32
      %add3A_151 = arith.addi %while3A_70, %add3A_150 : i32
      %select_n3A_152 = arith.select %ge3A_149, %add3A_151, %while3A_70 : i32
      %add3A_153 = arith.constant 2 : i32
      %add3A_154 = arith.addi %while3A_70, %add3A_153 : i32
      %select_n3A_155 = arith.select %ge3A_149, %add3A_154, %select_n3A_147 : i32
      scf.yield %select_n3A_152, %select_n3A_155, %select_n3A_144 : i32, i32, i32
    }
    %while3A_50 = arith.constant 1 : i32
    %while3A_51:3 = scf.for %while3A_69 = %while3A_47 to %while3A_43 step %while3A_50 iter_args(%while3A_70 = %while3A_49#0, %while3A_71 = %while3A_49#1, %while3A_72 = %while3A_49#2) -> (i32, i32, i32)  : i32 {
      %shift_right_arithmetic3A_73 = arith.constant 1 : i32
      %shift_right_arithmetic3A_74 = arith.shrsi %while3A_69, %shift_right_arithmetic3A_73 : i32
      %mul3A_75 = arith.constant 3846 : i32
      %mul3A_76 = arith.muli %while3A_70, %mul3A_75 : i32
      %mul3A_77 = arith.constant 3846 : i32
      %mul3A_78 = arith.muli %while3A_71, %mul3A_77 : i32
      %shift_right_arithmetic3A_79 = arith.constant 7 : i32
      %shift_right_arithmetic3A_80 = arith.shrsi %mul3A_76, %shift_right_arithmetic3A_79 : i32
      %shift_left3A = arith.constant 7 : i32
      %shift_left3A_81 = arith.shli %shift_right_arithmetic3A_80, %shift_left3A : i32
      %min3A = arith.constant 96000 : i32
      %min3A_82 = arith.minsi %shift_left3A_81, %min3A : i32
      %shift_right_arithmetic3A_83 = arith.constant 7 : i32
      %shift_right_arithmetic3A_84 = arith.shrsi %mul3A_78, %shift_right_arithmetic3A_83 : i32
      %shift_left3A_85 = arith.constant 7 : i32
      %shift_left3A_86 = arith.shli %shift_right_arithmetic3A_84, %shift_left3A_85 : i32
      %min3A_87 = arith.constant 96000 : i32
      %min3A_88 = arith.minsi %shift_left3A_86, %min3A_87 : i32
      %sub3A_89 = arith.subi %mul3A_76, %min3A_82 : i32
      %sub3A_90 = arith.subi %mul3A_78, %min3A_88 : i32
      %multiple_of3A = tpu.assume_multiple %min3A_82, 128 : i32
      %multiple_of3A_91 = tpu.assume_multiple %min3A_88, 128 : i32
      %mul3A_92 = arith.constant 16 : i32
      %mul3A_93 = arith.muli %while3A_71, %mul3A_92 : i32
      %mul3A_94 = arith.constant 8 : i32
      %mul3A_95 = arith.muli %while3A_72, %mul3A_94 : i32
      %add3A_96 = arith.addi %mul3A_93, %mul3A_95 : i32
      %multiple_of3A_97 = tpu.assume_multiple %add3A_96, 8 : i32
      %mul3A_98 = arith.constant 16 : i32
      %mul3A_99 = arith.muli %while3A_70, %mul3A_98 : i32
      %mul3A_100 = arith.constant 8 : i32
      %mul3A_101 = arith.muli %while3A_72, %mul3A_100 : i32
      %add3A_102 = arith.addi %mul3A_99, %mul3A_101 : i32
      %multiple_of3A_103 = tpu.assume_multiple %add3A_102, 8 : i32
      %dma_start3A = tpu.memref_slice %arg2[%multiple_of3A_97, %multiple_of3A] : memref<416x99996xf32, #tpu.memory_space<hbm>> -> memref<8x4096xf32, #tpu.memory_space<hbm>>
      %dma_start3A_104 = tpu.memref_slice %arg2[%multiple_of3A_97, %multiple_of3A] : memref<416x99996xf32, #tpu.memory_space<hbm>> -> memref<8x4096xf32, #tpu.memory_space<hbm>>
      tpu.enqueue_dma source(%dma_start3A_104 : memref<8x4096xf32, #tpu.memory_space<hbm>>) target(%arg5 : memref<8x4096xf32, #tpu.memory_space<vmem>>) target_semaphore(%arg11 : memref<!tpu.dma_semaphore, #tpu.memory_space<semaphore_mem>>)
      %dma_start3A_105 = tpu.memref_slice %arg2[%multiple_of3A_103, %multiple_of3A_91] : memref<416x99996xf32, #tpu.memory_space<hbm>> -> memref<8x4096xf32, #tpu.memory_space<hbm>>
      %dma_start3A_106 = tpu.memref_slice %arg2[%multiple_of3A_103, %multiple_of3A_91] : memref<416x99996xf32, #tpu.memory_space<hbm>> -> memref<8x4096xf32, #tpu.memory_space<hbm>>
      tpu.enqueue_dma source(%dma_start3A_106 : memref<8x4096xf32, #tpu.memory_space<hbm>>) target(%arg6 : memref<8x4096xf32, #tpu.memory_space<vmem>>) target_semaphore(%arg12 : memref<!tpu.dma_semaphore, #tpu.memory_space<semaphore_mem>>)
      %eq3A = arith.constant 0 : i32
      %eq3A_107 = arith.cmpi eq, %while3A_72, %eq3A : i32
      %eq3A_108 = arith.cmpi eq, %while3A_69, %shift_right_arithmetic3A_3 : i32
      %or3A = arith.ori %eq3A_107, %eq3A_108 : i1
      %convert_element_type3A = arith.extui %or3A : i1 to i32
      %cond3A = arith.constant 0 : i32
      %cond3A_109 = arith.cmpi ne, %convert_element_type3A, %cond3A : i32
      scf.if %cond3A_109 {
        %dma_start3A_156 = arith.constant 0 : i32
        %dma_start3A_157 = tpu.memref_slice %arg3[%while3A_70, %dma_start3A_156] : memref<26x4096xi32, #tpu.memory_space<hbm>> -> memref<1x4096xi32, #tpu.memory_space<hbm>>
        %dma_start3A_158 = tpu.memref_squeeze %dma_start3A_157 : memref<1x4096xi32, #tpu.memory_space<hbm>> -> memref<4096xi32, #tpu.memory_space<hbm>>
        %dma_start3A_159 = arith.constant 0 : i32
        %dma_start3A_160 = tpu.memref_slice %arg3[%while3A_70, %dma_start3A_159] : memref<26x4096xi32, #tpu.memory_space<hbm>> -> memref<1x4096xi32, #tpu.memory_space<hbm>>
        %dma_start3A_161 = tpu.memref_squeeze %dma_start3A_160 : memref<1x4096xi32, #tpu.memory_space<hbm>> -> memref<4096xi32, #tpu.memory_space<hbm>>
        tpu.enqueue_dma source(%dma_start3A_161 : memref<4096xi32, #tpu.memory_space<hbm>>) target(%arg7 : memref<4096xi32, #tpu.memory_space<vmem>>) target_semaphore(%arg13 : memref<!tpu.dma_semaphore, #tpu.memory_space<semaphore_mem>>)
        %dma_start3A_162 = arith.constant 0 : i32
        %dma_start3A_163 = tpu.memref_slice %arg3[%while3A_71, %dma_start3A_162] : memref<26x4096xi32, #tpu.memory_space<hbm>> -> memref<1x4096xi32, #tpu.memory_space<hbm>>
        %dma_start3A_164 = tpu.memref_squeeze %dma_start3A_163 : memref<1x4096xi32, #tpu.memory_space<hbm>> -> memref<4096xi32, #tpu.memory_space<hbm>>
        %dma_start3A_165 = arith.constant 0 : i32
        %dma_start3A_166 = tpu.memref_slice %arg3[%while3A_71, %dma_start3A_165] : memref<26x4096xi32, #tpu.memory_space<hbm>> -> memref<1x4096xi32, #tpu.memory_space<hbm>>
        %dma_start3A_167 = tpu.memref_squeeze %dma_start3A_166 : memref<1x4096xi32, #tpu.memory_space<hbm>> -> memref<4096xi32, #tpu.memory_space<hbm>>
        tpu.enqueue_dma source(%dma_start3A_167 : memref<4096xi32, #tpu.memory_space<hbm>>) target(%arg8 : memref<4096xi32, #tpu.memory_space<vmem>>) target_semaphore(%arg13 : memref<!tpu.dma_semaphore, #tpu.memory_space<semaphore_mem>>)
        %dma_wait3A_168 = arith.constant 0 : i32
        %dma_wait3A_169 = tpu.memref_slice %arg3[%while3A_70, %dma_wait3A_168] : memref<26x4096xi32, #tpu.memory_space<hbm>> -> memref<1x4096xi32, #tpu.memory_space<hbm>>
        %dma_wait3A_170 = tpu.memref_squeeze %dma_wait3A_169 : memref<1x4096xi32, #tpu.memory_space<hbm>> -> memref<4096xi32, #tpu.memory_space<hbm>>
        %dma_wait3A_171 = arith.constant 0 : i32
        %dma_wait3A_172 = tpu.memref_slice %arg3[%while3A_70, %dma_wait3A_171] : memref<26x4096xi32, #tpu.memory_space<hbm>> -> memref<1x4096xi32, #tpu.memory_space<hbm>>
        %dma_wait3A_173 = tpu.memref_squeeze %dma_wait3A_172 : memref<1x4096xi32, #tpu.memory_space<hbm>> -> memref<4096xi32, #tpu.memory_space<hbm>>
        tpu.wait_dma2 semaphore(%arg13 : memref<!tpu.dma_semaphore, #tpu.memory_space<semaphore_mem>>) src(%dma_wait3A_173 : memref<4096xi32, #tpu.memory_space<hbm>>) dst(%arg7 : memref<4096xi32, #tpu.memory_space<vmem>>)
        %dma_wait3A_174 = arith.constant 0 : i32
        %dma_wait3A_175 = tpu.memref_slice %arg3[%while3A_71, %dma_wait3A_174] : memref<26x4096xi32, #tpu.memory_space<hbm>> -> memref<1x4096xi32, #tpu.memory_space<hbm>>
        %dma_wait3A_176 = tpu.memref_squeeze %dma_wait3A_175 : memref<1x4096xi32, #tpu.memory_space<hbm>> -> memref<4096xi32, #tpu.memory_space<hbm>>
        %dma_wait3A_177 = arith.constant 0 : i32
        %dma_wait3A_178 = tpu.memref_slice %arg3[%while3A_71, %dma_wait3A_177] : memref<26x4096xi32, #tpu.memory_space<hbm>> -> memref<1x4096xi32, #tpu.memory_space<hbm>>
        %dma_wait3A_179 = tpu.memref_squeeze %dma_wait3A_178 : memref<1x4096xi32, #tpu.memory_space<hbm>> -> memref<4096xi32, #tpu.memory_space<hbm>>
        tpu.wait_dma2 semaphore(%arg13 : memref<!tpu.dma_semaphore, #tpu.memory_space<semaphore_mem>>) src(%dma_wait3A_179 : memref<4096xi32, #tpu.memory_space<hbm>>) dst(%arg8 : memref<4096xi32, #tpu.memory_space<vmem>>)
      } else {
      }
      %dma_wait3A_110 = tpu.memref_slice %arg2[%multiple_of3A_97, %multiple_of3A] : memref<416x99996xf32, #tpu.memory_space<hbm>> -> memref<8x4096xf32, #tpu.memory_space<hbm>>
      %dma_wait3A_111 = tpu.memref_slice %arg2[%multiple_of3A_97, %multiple_of3A] : memref<416x99996xf32, #tpu.memory_space<hbm>> -> memref<8x4096xf32, #tpu.memory_space<hbm>>
      tpu.wait_dma2 semaphore(%arg11 : memref<!tpu.dma_semaphore, #tpu.memory_space<semaphore_mem>>) src(%dma_wait3A_111 : memref<8x4096xf32, #tpu.memory_space<hbm>>) dst(%arg5 : memref<8x4096xf32, #tpu.memory_space<vmem>>)
      %dma_wait3A_112 = tpu.memref_slice %arg2[%multiple_of3A_103, %multiple_of3A_91] : memref<416x99996xf32, #tpu.memory_space<hbm>> -> memref<8x4096xf32, #tpu.memory_space<hbm>>
      %dma_wait3A_113 = tpu.memref_slice %arg2[%multiple_of3A_103, %multiple_of3A_91] : memref<416x99996xf32, #tpu.memory_space<hbm>> -> memref<8x4096xf32, #tpu.memory_space<hbm>>
      tpu.wait_dma2 semaphore(%arg12 : memref<!tpu.dma_semaphore, #tpu.memory_space<semaphore_mem>>) src(%dma_wait3A_113 : memref<8x4096xf32, #tpu.memory_space<hbm>>) dst(%arg6 : memref<8x4096xf32, #tpu.memory_space<vmem>>)
      %mul3A_114 = arith.constant 8 : i32
      %mul3A_115 = arith.muli %while3A_72, %mul3A_114 : i32
      %gt3A = arith.cmpi sgt, %while3A_69, %shift_right_arithmetic3A_3 : i32
      %convert_element_type3A_116 = arith.extui %gt3A : i1 to i32
      %cond3A_117 = arith.constant 0 : i32
      %cond3A_118 = arith.cmpi ne, %convert_element_type3A_116, %cond3A_117 : i32
      scf.if %cond3A_118 {
        %dma_wait3A_156 = arith.constant 0 : i32
        %dma_wait3A_157 = tpu.memref_slice %arg4[%shift_right_arithmetic3A_74, %mul3A_115, %dma_wait3A_156] : memref<325x16x4096xf32, #tpu.memory_space<hbm>> -> memref<1x8x2048xf32, #tpu.memory_space<hbm>>
        %dma_wait3A_158 = tpu.memref_squeeze %dma_wait3A_157 : memref<1x8x2048xf32, #tpu.memory_space<hbm>> -> memref<8x2048xf32, #tpu.memory_space<hbm>>
        %dma_wait3A_159 = arith.constant 0 : i32
        %dma_wait3A_160 = tpu.memref_slice %arg4[%shift_right_arithmetic3A_74, %mul3A_115, %dma_wait3A_159] : memref<325x16x4096xf32, #tpu.memory_space<hbm>> -> memref<1x8x2048xf32, #tpu.memory_space<hbm>>
        %dma_wait3A_161 = tpu.memref_squeeze %dma_wait3A_160 : memref<1x8x2048xf32, #tpu.memory_space<hbm>> -> memref<8x2048xf32, #tpu.memory_space<hbm>>
        tpu.wait_dma2 semaphore(%arg14 : memref<!tpu.dma_semaphore, #tpu.memory_space<semaphore_mem>>) src(%arg9 : memref<8x2048xf32, #tpu.memory_space<vmem>>) dst(%dma_wait3A_161 : memref<8x2048xf32, #tpu.memory_space<hbm>>)
      } else {
      }
      %parallel_loop3A = arith.constant 0 : i32
      %parallel_loop3A_119 = arith.constant 128 : i32
      %parallel_loop3A_120 = arith.constant 1 : i32
      scf.for %parallel_loop3A_156 = %parallel_loop3A to %parallel_loop3A_119 step %parallel_loop3A_120  : i32 {
        %parallel_loop3A_157 = arith.constant 16 : i32
        %parallel_loop3A_158 = arith.muli %parallel_loop3A_156, %parallel_loop3A_157 : i32
        %parallel_loop3A_159 = arith.constant 16 : i32
        %parallel_loop3A_160 = arith.muli %parallel_loop3A_156, %parallel_loop3A_159 : i32
        %parallel_loop3A_161 = arith.constant 0 : i32
        %parallel_loop3A_162 = arith.addi %parallel_loop3A_161, %parallel_loop3A_160 : i32
        %parallel_loop3A_163 = arith.index_cast %parallel_loop3A_162 : i32 to index
        %parallel_loop3A_164 = tpu.vector_load %arg7[%parallel_loop3A_163] {strides = array<i32>} : memref<4096xi32, #tpu.memory_space<vmem>>, vector<16xi32>,
        %parallel_loop3A_165 = vector.broadcast %sub3A_89 : i32 to vector<16xi32>
        %parallel_loop3A_166 = arith.addi %parallel_loop3A_164, %parallel_loop3A_165 : vector<16xi32>
        %parallel_loop3A_167 = arith.index_cast %parallel_loop3A_162 : i32 to index
        %parallel_loop3A_168 = tpu.vector_load %arg8[%parallel_loop3A_167] {strides = array<i32>} : memref<4096xi32, #tpu.memory_space<vmem>>, vector<16xi32>,
        %parallel_loop3A_169 = vector.broadcast %sub3A_90 : i32 to vector<16xi32>
        %parallel_loop3A_170 = arith.addi %parallel_loop3A_168, %parallel_loop3A_169 : vector<16xi32>
        %parallel_loop3A_171 = arith.constant 0 : i32
        %parallel_loop3A_172 = vector.broadcast %parallel_loop3A_171 : i32 to vector<16xi32>
        %parallel_loop3A_173 = tpu.vector_load_idx %arg5[%parallel_loop3A_172, %parallel_loop3A_166] : memref<8x4096xf32, #tpu.memory_space<vmem>>[vector<16xi32>, vector<16xi32>], vector<16xf32>,
        %parallel_loop3A_174 = tpu.vector_load_idx %arg6[%parallel_loop3A_172, %parallel_loop3A_170] : memref<8x4096xf32, #tpu.memory_space<vmem>>[vector<16xi32>, vector<16xi32>], vector<16xf32>,
        %parallel_loop3A_175 = arith.mulf %parallel_loop3A_173, %parallel_loop3A_174 : vector<16xf32>
        %parallel_loop3A_176 = arith.constant 0 : i32
        %parallel_loop3A_177 = arith.index_cast %parallel_loop3A_176 : i32 to index
        %parallel_loop3A_178 = arith.index_cast %parallel_loop3A_158 : i32 to index
        %parallel_loop3A_179 = tpu.vector_load %arg9[%parallel_loop3A_177, %parallel_loop3A_178] {strides = array<i32>} : memref<8x2048xf32, #tpu.memory_space<vmem>>, vector<16xf32>,
        tpu.vector_store %arg9[%parallel_loop3A_177, %parallel_loop3A_178], %parallel_loop3A_175 {strides = array<i32>} : memref<8x2048xf32, #tpu.memory_space<vmem>>, vector<16xf32>,
        %parallel_loop3A_180 = arith.constant 1 : i32
        %parallel_loop3A_181 = vector.broadcast %parallel_loop3A_180 : i32 to vector<16xi32>
        %parallel_loop3A_182 = tpu.vector_load_idx %arg5[%parallel_loop3A_181, %parallel_loop3A_166] : memref<8x4096xf32, #tpu.memory_space<vmem>>[vector<16xi32>, vector<16xi32>], vector<16xf32>,
        %parallel_loop3A_183 = tpu.vector_load_idx %arg6[%parallel_loop3A_181, %parallel_loop3A_170] : memref<8x4096xf32, #tpu.memory_space<vmem>>[vector<16xi32>, vector<16xi32>], vector<16xf32>,
        %parallel_loop3A_184 = arith.mulf %parallel_loop3A_182, %parallel_loop3A_183 : vector<16xf32>
        %parallel_loop3A_185 = arith.constant 1 : i32
        %parallel_loop3A_186 = arith.index_cast %parallel_loop3A_185 : i32 to index
        %parallel_loop3A_187 = arith.index_cast %parallel_loop3A_158 : i32 to index
        %parallel_loop3A_188 = tpu.vector_load %arg9[%parallel_loop3A_186, %parallel_loop3A_187] {strides = array<i32>} : memref<8x2048xf32, #tpu.memory_space<vmem>>, vector<16xf32>,
        tpu.vector_store %arg9[%parallel_loop3A_186, %parallel_loop3A_187], %parallel_loop3A_184 {strides = array<i32>} : memref<8x2048xf32, #tpu.memory_space<vmem>>, vector<16xf32>,
        %parallel_loop3A_189 = arith.constant 2 : i32
        %parallel_loop3A_190 = vector.broadcast %parallel_loop3A_189 : i32 to vector<16xi32>
        %parallel_loop3A_191 = tpu.vector_load_idx %arg5[%parallel_loop3A_190, %parallel_loop3A_166] : memref<8x4096xf32, #tpu.memory_space<vmem>>[vector<16xi32>, vector<16xi32>], vector<16xf32>,
        %parallel_loop3A_192 = tpu.vector_load_idx %arg6[%parallel_loop3A_190, %parallel_loop3A_170] : memref<8x4096xf32, #tpu.memory_space<vmem>>[vector<16xi32>, vector<16xi32>], vector<16xf32>,
        %parallel_loop3A_193 = arith.mulf %parallel_loop3A_191, %parallel_loop3A_192 : vector<16xf32>
        %parallel_loop3A_194 = arith.constant 2 : i32
        %parallel_loop3A_195 = arith.index_cast %parallel_loop3A_194 : i32 to index
        %parallel_loop3A_196 = arith.index_cast %parallel_loop3A_158 : i32 to index
        %parallel_loop3A_197 = tpu.vector_load %arg9[%parallel_loop3A_195, %parallel_loop3A_196] {strides = array<i32>} : memref<8x2048xf32, #tpu.memory_space<vmem>>, vector<16xf32>,
        tpu.vector_store %arg9[%parallel_loop3A_195, %parallel_loop3A_196], %parallel_loop3A_193 {strides = array<i32>} : memref<8x2048xf32, #tpu.memory_space<vmem>>, vector<16xf32>,
        %parallel_loop3A_198 = arith.constant 3 : i32
        %parallel_loop3A_199 = vector.broadcast %parallel_loop3A_198 : i32 to vector<16xi32>
        %parallel_loop3A_200 = tpu.vector_load_idx %arg5[%parallel_loop3A_199, %parallel_loop3A_166] : memref<8x4096xf32, #tpu.memory_space<vmem>>[vector<16xi32>, vector<16xi32>], vector<16xf32>,
        %parallel_loop3A_201 = tpu.vector_load_idx %arg6[%parallel_loop3A_199, %parallel_loop3A_170] : memref<8x4096xf32, #tpu.memory_space<vmem>>[vector<16xi32>, vector<16xi32>], vector<16xf32>,
        %parallel_loop3A_202 = arith.mulf %parallel_loop3A_200, %parallel_loop3A_201 : vector<16xf32>
        %parallel_loop3A_203 = arith.constant 3 : i32
        %parallel_loop3A_204 = arith.index_cast %parallel_loop3A_203 : i32 to index
        %parallel_loop3A_205 = arith.index_cast %parallel_loop3A_158 : i32 to index
        %parallel_loop3A_206 = tpu.vector_load %arg9[%parallel_loop3A_204, %parallel_loop3A_205] {strides = array<i32>} : memref<8x2048xf32, #tpu.memory_space<vmem>>, vector<16xf32>,
        tpu.vector_store %arg9[%parallel_loop3A_204, %parallel_loop3A_205], %parallel_loop3A_202 {strides = array<i32>} : memref<8x2048xf32, #tpu.memory_space<vmem>>, vector<16xf32>,
        %parallel_loop3A_207 = arith.constant 4 : i32
        %parallel_loop3A_208 = vector.broadcast %parallel_loop3A_207 : i32 to vector<16xi32>
        %parallel_loop3A_209 = tpu.vector_load_idx %arg5[%parallel_loop3A_208, %parallel_loop3A_166] : memref<8x4096xf32, #tpu.memory_space<vmem>>[vector<16xi32>, vector<16xi32>], vector<16xf32>,
        %parallel_loop3A_210 = tpu.vector_load_idx %arg6[%parallel_loop3A_208, %parallel_loop3A_170] : memref<8x4096xf32, #tpu.memory_space<vmem>>[vector<16xi32>, vector<16xi32>], vector<16xf32>,
        %parallel_loop3A_211 = arith.mulf %parallel_loop3A_209, %parallel_loop3A_210 : vector<16xf32>
        %parallel_loop3A_212 = arith.constant 4 : i32
        %parallel_loop3A_213 = arith.index_cast %parallel_loop3A_212 : i32 to index
        %parallel_loop3A_214 = arith.index_cast %parallel_loop3A_158 : i32 to index
        %parallel_loop3A_215 = tpu.vector_load %arg9[%parallel_loop3A_213, %parallel_loop3A_214] {strides = array<i32>} : memref<8x2048xf32, #tpu.memory_space<vmem>>, vector<16xf32>,
        tpu.vector_store %arg9[%parallel_loop3A_213, %parallel_loop3A_214], %parallel_loop3A_211 {strides = array<i32>} : memref<8x2048xf32, #tpu.memory_space<vmem>>, vector<16xf32>,
        %parallel_loop3A_216 = arith.constant 5 : i32
        %parallel_loop3A_217 = vector.broadcast %parallel_loop3A_216 : i32 to vector<16xi32>
        %parallel_loop3A_218 = tpu.vector_load_idx %arg5[%parallel_loop3A_217, %parallel_loop3A_166] : memref<8x4096xf32, #tpu.memory_space<vmem>>[vector<16xi32>, vector<16xi32>], vector<16xf32>,
        %parallel_loop3A_219 = tpu.vector_load_idx %arg6[%parallel_loop3A_217, %parallel_loop3A_170] : memref<8x4096xf32, #tpu.memory_space<vmem>>[vector<16xi32>, vector<16xi32>], vector<16xf32>,
        %parallel_loop3A_220 = arith.mulf %parallel_loop3A_218, %parallel_loop3A_219 : vector<16xf32>
        %parallel_loop3A_221 = arith.constant 5 : i32
        %parallel_loop3A_222 = arith.index_cast %parallel_loop3A_221 : i32 to index
        %parallel_loop3A_223 = arith.index_cast %parallel_loop3A_158 : i32 to index
        %parallel_loop3A_224 = tpu.vector_load %arg9[%parallel_loop3A_222, %parallel_loop3A_223] {strides = array<i32>} : memref<8x2048xf32, #tpu.memory_space<vmem>>, vector<16xf32>,
        tpu.vector_store %arg9[%parallel_loop3A_222, %parallel_loop3A_223], %parallel_loop3A_220 {strides = array<i32>} : memref<8x2048xf32, #tpu.memory_space<vmem>>, vector<16xf32>,
        %parallel_loop3A_225 = arith.constant 6 : i32
        %parallel_loop3A_226 = vector.broadcast %parallel_loop3A_225 : i32 to vector<16xi32>
        %parallel_loop3A_227 = tpu.vector_load_idx %arg5[%parallel_loop3A_226, %parallel_loop3A_166] : memref<8x4096xf32, #tpu.memory_space<vmem>>[vector<16xi32>, vector<16xi32>], vector<16xf32>,
        %parallel_loop3A_228 = tpu.vector_load_idx %arg6[%parallel_loop3A_226, %parallel_loop3A_170] : memref<8x4096xf32, #tpu.memory_space<vmem>>[vector<16xi32>, vector<16xi32>], vector<16xf32>,
        %parallel_loop3A_229 = arith.mulf %parallel_loop3A_227, %parallel_loop3A_228 : vector<16xf32>
        %parallel_loop3A_230 = arith.constant 6 : i32
        %parallel_loop3A_231 = arith.index_cast %parallel_loop3A_230 : i32 to index
        %parallel_loop3A_232 = arith.index_cast %parallel_loop3A_158 : i32 to index
        %parallel_loop3A_233 = tpu.vector_load %arg9[%parallel_loop3A_231, %parallel_loop3A_232] {strides = array<i32>} : memref<8x2048xf32, #tpu.memory_space<vmem>>, vector<16xf32>,
        tpu.vector_store %arg9[%parallel_loop3A_231, %parallel_loop3A_232], %parallel_loop3A_229 {strides = array<i32>} : memref<8x2048xf32, #tpu.memory_space<vmem>>, vector<16xf32>,
        %parallel_loop3A_234 = arith.constant 7 : i32
        %parallel_loop3A_235 = vector.broadcast %parallel_loop3A_234 : i32 to vector<16xi32>
        %parallel_loop3A_236 = tpu.vector_load_idx %arg5[%parallel_loop3A_235, %parallel_loop3A_166] : memref<8x4096xf32, #tpu.memory_space<vmem>>[vector<16xi32>, vector<16xi32>], vector<16xf32>,
        %parallel_loop3A_237 = tpu.vector_load_idx %arg6[%parallel_loop3A_235, %parallel_loop3A_170] : memref<8x4096xf32, #tpu.memory_space<vmem>>[vector<16xi32>, vector<16xi32>], vector<16xf32>,
        %parallel_loop3A_238 = arith.mulf %parallel_loop3A_236, %parallel_loop3A_237 : vector<16xf32>
        %parallel_loop3A_239 = arith.constant 7 : i32
        %parallel_loop3A_240 = arith.index_cast %parallel_loop3A_239 : i32 to index
        %parallel_loop3A_241 = arith.index_cast %parallel_loop3A_158 : i32 to index
        %parallel_loop3A_242 = tpu.vector_load %arg9[%parallel_loop3A_240, %parallel_loop3A_241] {strides = array<i32>} : memref<8x2048xf32, #tpu.memory_space<vmem>>, vector<16xf32>,
        tpu.vector_store %arg9[%parallel_loop3A_240, %parallel_loop3A_241], %parallel_loop3A_238 {strides = array<i32>} : memref<8x2048xf32, #tpu.memory_space<vmem>>, vector<16xf32>,
      } {sc.loop_unroll_factor = 4 : i64, sc.parallel_access}
      %dma_start3A_121 = arith.constant 0 : i32
      %dma_start3A_122 = tpu.memref_slice %arg4[%shift_right_arithmetic3A_74, %mul3A_115, %dma_start3A_121] : memref<325x16x4096xf32, #tpu.memory_space<hbm>> -> memref<1x8x2048xf32, #tpu.memory_space<hbm>>
      %dma_start3A_123 = tpu.memref_squeeze %dma_start3A_122 : memref<1x8x2048xf32, #tpu.memory_space<hbm>> -> memref<8x2048xf32, #tpu.memory_space<hbm>>
      %dma_start3A_124 = arith.constant 0 : i32
      %dma_start3A_125 = tpu.memref_slice %arg4[%shift_right_arithmetic3A_74, %mul3A_115, %dma_start3A_124] : memref<325x16x4096xf32, #tpu.memory_space<hbm>> -> memref<1x8x2048xf32, #tpu.memory_space<hbm>>
      %dma_start3A_126 = tpu.memref_squeeze %dma_start3A_125 : memref<1x8x2048xf32, #tpu.memory_space<hbm>> -> memref<8x2048xf32, #tpu.memory_space<hbm>>
      tpu.enqueue_dma source(%arg9 : memref<8x2048xf32, #tpu.memory_space<vmem>>) target(%dma_start3A_126 : memref<8x2048xf32, #tpu.memory_space<hbm>>) target_semaphore(%arg14 : memref<!tpu.dma_semaphore, #tpu.memory_space<semaphore_mem>>)
      %gt3A_127 = arith.cmpi sgt, %while3A_69, %shift_right_arithmetic3A_3 : i32
      %convert_element_type3A_128 = arith.extui %gt3A_127 : i1 to i32
      %cond3A_129 = arith.constant 0 : i32
      %cond3A_130 = arith.cmpi ne, %convert_element_type3A_128, %cond3A_129 : i32
      scf.if %cond3A_130 {
        %dma_wait3A_156 = arith.constant 2048 : i32
        %dma_wait3A_157 = tpu.memref_slice %arg4[%shift_right_arithmetic3A_74, %mul3A_115, %dma_wait3A_156] : memref<325x16x4096xf32, #tpu.memory_space<hbm>> -> memref<1x8x2048xf32, #tpu.memory_space<hbm>>
        %dma_wait3A_158 = tpu.memref_squeeze %dma_wait3A_157 : memref<1x8x2048xf32, #tpu.memory_space<hbm>> -> memref<8x2048xf32, #tpu.memory_space<hbm>>
        %dma_wait3A_159 = arith.constant 2048 : i32
        %dma_wait3A_160 = tpu.memref_slice %arg4[%shift_right_arithmetic3A_74, %mul3A_115, %dma_wait3A_159] : memref<325x16x4096xf32, #tpu.memory_space<hbm>> -> memref<1x8x2048xf32, #tpu.memory_space<hbm>>
        %dma_wait3A_161 = tpu.memref_squeeze %dma_wait3A_160 : memref<1x8x2048xf32, #tpu.memory_space<hbm>> -> memref<8x2048xf32, #tpu.memory_space<hbm>>
        tpu.wait_dma2 semaphore(%arg14 : memref<!tpu.dma_semaphore, #tpu.memory_space<semaphore_mem>>) src(%arg10 : memref<8x2048xf32, #tpu.memory_space<vmem>>) dst(%dma_wait3A_161 : memref<8x2048xf32, #tpu.memory_space<hbm>>)
      } else {
      }
      %parallel_loop3A_131 = arith.constant 0 : i32
      %parallel_loop3A_132 = arith.constant 128 : i32
      %parallel_loop3A_133 = arith.constant 1 : i32
      scf.for %parallel_loop3A_156 = %parallel_loop3A_131 to %parallel_loop3A_132 step %parallel_loop3A_133  : i32 {
        %parallel_loop3A_157 = arith.constant 16 : i32
        %parallel_loop3A_158 = arith.muli %parallel_loop3A_156, %parallel_loop3A_157 : i32
        %parallel_loop3A_159 = arith.constant 16 : i32
        %parallel_loop3A_160 = arith.muli %parallel_loop3A_156, %parallel_loop3A_159 : i32
        %parallel_loop3A_161 = arith.constant 2048 : i32
        %parallel_loop3A_162 = arith.addi %parallel_loop3A_161, %parallel_loop3A_160 : i32
        %parallel_loop3A_163 = arith.index_cast %parallel_loop3A_162 : i32 to index
        %parallel_loop3A_164 = tpu.vector_load %arg7[%parallel_loop3A_163] {strides = array<i32>} : memref<4096xi32, #tpu.memory_space<vmem>>, vector<16xi32>,
        %parallel_loop3A_165 = vector.broadcast %sub3A_89 : i32 to vector<16xi32>
        %parallel_loop3A_166 = arith.addi %parallel_loop3A_164, %parallel_loop3A_165 : vector<16xi32>
        %parallel_loop3A_167 = arith.index_cast %parallel_loop3A_162 : i32 to index
        %parallel_loop3A_168 = tpu.vector_load %arg8[%parallel_loop3A_167] {strides = array<i32>} : memref<4096xi32, #tpu.memory_space<vmem>>, vector<16xi32>,
        %parallel_loop3A_169 = vector.broadcast %sub3A_90 : i32 to vector<16xi32>
        %parallel_loop3A_170 = arith.addi %parallel_loop3A_168, %parallel_loop3A_169 : vector<16xi32>
        %parallel_loop3A_171 = arith.constant 0 : i32
        %parallel_loop3A_172 = vector.broadcast %parallel_loop3A_171 : i32 to vector<16xi32>
        %parallel_loop3A_173 = tpu.vector_load_idx %arg5[%parallel_loop3A_172, %parallel_loop3A_166] : memref<8x4096xf32, #tpu.memory_space<vmem>>[vector<16xi32>, vector<16xi32>], vector<16xf32>,
        %parallel_loop3A_174 = tpu.vector_load_idx %arg6[%parallel_loop3A_172, %parallel_loop3A_170] : memref<8x4096xf32, #tpu.memory_space<vmem>>[vector<16xi32>, vector<16xi32>], vector<16xf32>,
        %parallel_loop3A_175 = arith.mulf %parallel_loop3A_173, %parallel_loop3A_174 : vector<16xf32>
        %parallel_loop3A_176 = arith.constant 0 : i32
        %parallel_loop3A_177 = arith.index_cast %parallel_loop3A_176 : i32 to index
        %parallel_loop3A_178 = arith.index_cast %parallel_loop3A_158 : i32 to index
        %parallel_loop3A_179 = tpu.vector_load %arg10[%parallel_loop3A_177, %parallel_loop3A_178] {strides = array<i32>} : memref<8x2048xf32, #tpu.memory_space<vmem>>, vector<16xf32>,
        tpu.vector_store %arg10[%parallel_loop3A_177, %parallel_loop3A_178], %parallel_loop3A_175 {strides = array<i32>} : memref<8x2048xf32, #tpu.memory_space<vmem>>, vector<16xf32>,
        %parallel_loop3A_180 = arith.constant 1 : i32
        %parallel_loop3A_181 = vector.broadcast %parallel_loop3A_180 : i32 to vector<16xi32>
        %parallel_loop3A_182 = tpu.vector_load_idx %arg5[%parallel_loop3A_181, %parallel_loop3A_166] : memref<8x4096xf32, #tpu.memory_space<vmem>>[vector<16xi32>, vector<16xi32>], vector<16xf32>,
        %parallel_loop3A_183 = tpu.vector_load_idx %arg6[%parallel_loop3A_181, %parallel_loop3A_170] : memref<8x4096xf32, #tpu.memory_space<vmem>>[vector<16xi32>, vector<16xi32>], vector<16xf32>,
        %parallel_loop3A_184 = arith.mulf %parallel_loop3A_182, %parallel_loop3A_183 : vector<16xf32>
        %parallel_loop3A_185 = arith.constant 1 : i32
        %parallel_loop3A_186 = arith.index_cast %parallel_loop3A_185 : i32 to index
        %parallel_loop3A_187 = arith.index_cast %parallel_loop3A_158 : i32 to index
        %parallel_loop3A_188 = tpu.vector_load %arg10[%parallel_loop3A_186, %parallel_loop3A_187] {strides = array<i32>} : memref<8x2048xf32, #tpu.memory_space<vmem>>, vector<16xf32>,
        tpu.vector_store %arg10[%parallel_loop3A_186, %parallel_loop3A_187], %parallel_loop3A_184 {strides = array<i32>} : memref<8x2048xf32, #tpu.memory_space<vmem>>, vector<16xf32>,
        %parallel_loop3A_189 = arith.constant 2 : i32
        %parallel_loop3A_190 = vector.broadcast %parallel_loop3A_189 : i32 to vector<16xi32>
        %parallel_loop3A_191 = tpu.vector_load_idx %arg5[%parallel_loop3A_190, %parallel_loop3A_166] : memref<8x4096xf32, #tpu.memory_space<vmem>>[vector<16xi32>, vector<16xi32>], vector<16xf32>,
        %parallel_loop3A_192 = tpu.vector_load_idx %arg6[%parallel_loop3A_190, %parallel_loop3A_170] : memref<8x4096xf32, #tpu.memory_space<vmem>>[vector<16xi32>, vector<16xi32>], vector<16xf32>,
        %parallel_loop3A_193 = arith.mulf %parallel_loop3A_191, %parallel_loop3A_192 : vector<16xf32>
        %parallel_loop3A_194 = arith.constant 2 : i32
        %parallel_loop3A_195 = arith.index_cast %parallel_loop3A_194 : i32 to index
        %parallel_loop3A_196 = arith.index_cast %parallel_loop3A_158 : i32 to index
        %parallel_loop3A_197 = tpu.vector_load %arg10[%parallel_loop3A_195, %parallel_loop3A_196] {strides = array<i32>} : memref<8x2048xf32, #tpu.memory_space<vmem>>, vector<16xf32>,
        tpu.vector_store %arg10[%parallel_loop3A_195, %parallel_loop3A_196], %parallel_loop3A_193 {strides = array<i32>} : memref<8x2048xf32, #tpu.memory_space<vmem>>, vector<16xf32>,
        %parallel_loop3A_198 = arith.constant 3 : i32
        %parallel_loop3A_199 = vector.broadcast %parallel_loop3A_198 : i32 to vector<16xi32>
        %parallel_loop3A_200 = tpu.vector_load_idx %arg5[%parallel_loop3A_199, %parallel_loop3A_166] : memref<8x4096xf32, #tpu.memory_space<vmem>>[vector<16xi32>, vector<16xi32>], vector<16xf32>,
        %parallel_loop3A_201 = tpu.vector_load_idx %arg6[%parallel_loop3A_199, %parallel_loop3A_170] : memref<8x4096xf32, #tpu.memory_space<vmem>>[vector<16xi32>, vector<16xi32>], vector<16xf32>,
        %parallel_loop3A_202 = arith.mulf %parallel_loop3A_200, %parallel_loop3A_201 : vector<16xf32>
        %parallel_loop3A_203 = arith.constant 3 : i32
        %parallel_loop3A_204 = arith.index_cast %parallel_loop3A_203 : i32 to index
        %parallel_loop3A_205 = arith.index_cast %parallel_loop3A_158 : i32 to index
        %parallel_loop3A_206 = tpu.vector_load %arg10[%parallel_loop3A_204, %parallel_loop3A_205] {strides = array<i32>} : memref<8x2048xf32, #tpu.memory_space<vmem>>, vector<16xf32>,
        tpu.vector_store %arg10[%parallel_loop3A_204, %parallel_loop3A_205], %parallel_loop3A_202 {strides = array<i32>} : memref<8x2048xf32, #tpu.memory_space<vmem>>, vector<16xf32>,
        %parallel_loop3A_207 = arith.constant 4 : i32
        %parallel_loop3A_208 = vector.broadcast %parallel_loop3A_207 : i32 to vector<16xi32>
        %parallel_loop3A_209 = tpu.vector_load_idx %arg5[%parallel_loop3A_208, %parallel_loop3A_166] : memref<8x4096xf32, #tpu.memory_space<vmem>>[vector<16xi32>, vector<16xi32>], vector<16xf32>,
        %parallel_loop3A_210 = tpu.vector_load_idx %arg6[%parallel_loop3A_208, %parallel_loop3A_170] : memref<8x4096xf32, #tpu.memory_space<vmem>>[vector<16xi32>, vector<16xi32>], vector<16xf32>,
        %parallel_loop3A_211 = arith.mulf %parallel_loop3A_209, %parallel_loop3A_210 : vector<16xf32>
        %parallel_loop3A_212 = arith.constant 4 : i32
        %parallel_loop3A_213 = arith.index_cast %parallel_loop3A_212 : i32 to index
        %parallel_loop3A_214 = arith.index_cast %parallel_loop3A_158 : i32 to index
        %parallel_loop3A_215 = tpu.vector_load %arg10[%parallel_loop3A_213, %parallel_loop3A_214] {strides = array<i32>} : memref<8x2048xf32, #tpu.memory_space<vmem>>, vector<16xf32>,
        tpu.vector_store %arg10[%parallel_loop3A_213, %parallel_loop3A_214], %parallel_loop3A_211 {strides = array<i32>} : memref<8x2048xf32, #tpu.memory_space<vmem>>, vector<16xf32>,
        %parallel_loop3A_216 = arith.constant 5 : i32
        %parallel_loop3A_217 = vector.broadcast %parallel_loop3A_216 : i32 to vector<16xi32>
        %parallel_loop3A_218 = tpu.vector_load_idx %arg5[%parallel_loop3A_217, %parallel_loop3A_166] : memref<8x4096xf32, #tpu.memory_space<vmem>>[vector<16xi32>, vector<16xi32>], vector<16xf32>,
        %parallel_loop3A_219 = tpu.vector_load_idx %arg6[%parallel_loop3A_217, %parallel_loop3A_170] : memref<8x4096xf32, #tpu.memory_space<vmem>>[vector<16xi32>, vector<16xi32>], vector<16xf32>,
        %parallel_loop3A_220 = arith.mulf %parallel_loop3A_218, %parallel_loop3A_219 : vector<16xf32>
        %parallel_loop3A_221 = arith.constant 5 : i32
        %parallel_loop3A_222 = arith.index_cast %parallel_loop3A_221 : i32 to index
        %parallel_loop3A_223 = arith.index_cast %parallel_loop3A_158 : i32 to index
        %parallel_loop3A_224 = tpu.vector_load %arg10[%parallel_loop3A_222, %parallel_loop3A_223] {strides = array<i32>} : memref<8x2048xf32, #tpu.memory_space<vmem>>, vector<16xf32>,
        tpu.vector_store %arg10[%parallel_loop3A_222, %parallel_loop3A_223], %parallel_loop3A_220 {strides = array<i32>} : memref<8x2048xf32, #tpu.memory_space<vmem>>, vector<16xf32>,
        %parallel_loop3A_225 = arith.constant 6 : i32
        %parallel_loop3A_226 = vector.broadcast %parallel_loop3A_225 : i32 to vector<16xi32>
        %parallel_loop3A_227 = tpu.vector_load_idx %arg5[%parallel_loop3A_226, %parallel_loop3A_166] : memref<8x4096xf32, #tpu.memory_space<vmem>>[vector<16xi32>, vector<16xi32>], vector<16xf32>,
        %parallel_loop3A_228 = tpu.vector_load_idx %arg6[%parallel_loop3A_226, %parallel_loop3A_170] : memref<8x4096xf32, #tpu.memory_space<vmem>>[vector<16xi32>, vector<16xi32>], vector<16xf32>,
        %parallel_loop3A_229 = arith.mulf %parallel_loop3A_227, %parallel_loop3A_228 : vector<16xf32>
        %parallel_loop3A_230 = arith.constant 6 : i32
        %parallel_loop3A_231 = arith.index_cast %parallel_loop3A_230 : i32 to index
        %parallel_loop3A_232 = arith.index_cast %parallel_loop3A_158 : i32 to index
        %parallel_loop3A_233 = tpu.vector_load %arg10[%parallel_loop3A_231, %parallel_loop3A_232] {strides = array<i32>} : memref<8x2048xf32, #tpu.memory_space<vmem>>, vector<16xf32>,
        tpu.vector_store %arg10[%parallel_loop3A_231, %parallel_loop3A_232], %parallel_loop3A_229 {strides = array<i32>} : memref<8x2048xf32, #tpu.memory_space<vmem>>, vector<16xf32>,
        %parallel_loop3A_234 = arith.constant 7 : i32
        %parallel_loop3A_235 = vector.broadcast %parallel_loop3A_234 : i32 to vector<16xi32>
        %parallel_loop3A_236 = tpu.vector_load_idx %arg5[%parallel_loop3A_235, %parallel_loop3A_166] : memref<8x4096xf32, #tpu.memory_space<vmem>>[vector<16xi32>, vector<16xi32>], vector<16xf32>,
        %parallel_loop3A_237 = tpu.vector_load_idx %arg6[%parallel_loop3A_235, %parallel_loop3A_170] : memref<8x4096xf32, #tpu.memory_space<vmem>>[vector<16xi32>, vector<16xi32>], vector<16xf32>,
        %parallel_loop3A_238 = arith.mulf %parallel_loop3A_236, %parallel_loop3A_237 : vector<16xf32>
        %parallel_loop3A_239 = arith.constant 7 : i32
        %parallel_loop3A_240 = arith.index_cast %parallel_loop3A_239 : i32 to index
        %parallel_loop3A_241 = arith.index_cast %parallel_loop3A_158 : i32 to index
        %parallel_loop3A_242 = tpu.vector_load %arg10[%parallel_loop3A_240, %parallel_loop3A_241] {strides = array<i32>} : memref<8x2048xf32, #tpu.memory_space<vmem>>, vector<16xf32>,
        tpu.vector_store %arg10[%parallel_loop3A_240, %parallel_loop3A_241], %parallel_loop3A_238 {strides = array<i32>} : memref<8x2048xf32, #tpu.memory_space<vmem>>, vector<16xf32>,
      } {sc.loop_unroll_factor = 4 : i64, sc.parallel_access}
      %dma_start3A_134 = arith.constant 2048 : i32
      %dma_start3A_135 = tpu.memref_slice %arg4[%shift_right_arithmetic3A_74, %mul3A_115, %dma_start3A_134] : memref<325x16x4096xf32, #tpu.memory_space<hbm>> -> memref<1x8x2048xf32, #tpu.memory_space<hbm>>
      %dma_start3A_136 = tpu.memref_squeeze %dma_start3A_135 : memref<1x8x2048xf32, #tpu.memory_space<hbm>> -> memref<8x2048xf32, #tpu.memory_space<hbm>>
      %dma_start3A_137 = arith.constant 2048 : i32
      %dma_start3A_138 = tpu.memref_slice %arg4[%shift_right_arithmetic3A_74, %mul3A_115, %dma_start3A_137] : memref<325x16x4096xf32, #tpu.memory_space<hbm>> -> memref<1x8x2048xf32, #tpu.memory_space<hbm>>
      %dma_start3A_139 = tpu.memref_squeeze %dma_start3A_138 : memref<1x8x2048xf32, #tpu.memory_space<hbm>> -> memref<8x2048xf32, #tpu.memory_space<hbm>>
      tpu.enqueue_dma source(%arg10 : memref<8x2048xf32, #tpu.memory_space<vmem>>) target(%dma_start3A_139 : memref<8x2048xf32, #tpu.memory_space<hbm>>) target_semaphore(%arg14 : memref<!tpu.dma_semaphore, #tpu.memory_space<semaphore_mem>>)
      %add3A_140 = arith.constant 1 : i32
      %add3A_141 = arith.addi %while3A_72, %add3A_140 : i32
      %ge3A = arith.constant 2 : i32
      %ge3A_142 = arith.cmpi sge, %add3A_141, %ge3A : i32
      %jit3A_143 = arith.constant 0 : i32
      %select_n3A_144 = arith.select %ge3A_142, %jit3A_143, %add3A_141 : i32
      %add3A_145 = arith.constant 1 : i32
      %add3A_146 = arith.addi %while3A_71, %add3A_145 : i32
      %select_n3A_147 = arith.select %ge3A_142, %add3A_146, %while3A_71 : i32
      %ge3A_148 = arith.constant 26 : i32
      %ge3A_149 = arith.cmpi sge, %select_n3A_147, %ge3A_148 : i32
      %add3A_150 = arith.constant 1 : i32
      %add3A_151 = arith.addi %while3A_70, %add3A_150 : i32
      %select_n3A_152 = arith.select %ge3A_149, %add3A_151, %while3A_70 : i32
      %add3A_153 = arith.constant 2 : i32
      %add3A_154 = arith.addi %while3A_70, %add3A_153 : i32
      %select_n3A_155 = arith.select %ge3A_149, %add3A_154, %select_n3A_147 : i32
      scf.yield %select_n3A_152, %select_n3A_155, %select_n3A_144 : i32, i32, i32
    }
    %dma_wait3A = arith.constant 0 : i32
    %dma_wait3A_52 = arith.constant 0 : i32
    %dma_wait3A_53 = arith.constant 0 : i32
    %dma_wait3A_54 = tpu.memref_slice %arg4[%dma_wait3A, %dma_wait3A_52, %dma_wait3A_53] : memref<325x16x4096xf32, #tpu.memory_space<hbm>> -> memref<1x8x2048xf32, #tpu.memory_space<hbm>>
    %dma_wait3A_55 = tpu.memref_squeeze %dma_wait3A_54 : memref<1x8x2048xf32, #tpu.memory_space<hbm>> -> memref<8x2048xf32, #tpu.memory_space<hbm>>
    %dma_wait3A_56 = arith.constant 0 : i32
    %dma_wait3A_57 = arith.constant 0 : i32
    %dma_wait3A_58 = tpu.memref_slice %arg4[%dma_wait3A, %dma_wait3A_56, %dma_wait3A_57] : memref<325x16x4096xf32, #tpu.memory_space<hbm>> -> memref<1x8x2048xf32, #tpu.memory_space<hbm>>
    %dma_wait3A_59 = tpu.memref_squeeze %dma_wait3A_58 : memref<1x8x2048xf32, #tpu.memory_space<hbm>> -> memref<8x2048xf32, #tpu.memory_space<hbm>>
    tpu.wait_dma2 semaphore(%arg14 : memref<!tpu.dma_semaphore, #tpu.memory_space<semaphore_mem>>) src(%arg9 : memref<8x2048xf32, #tpu.memory_space<vmem>>) dst(%dma_wait3A_59 : memref<8x2048xf32, #tpu.memory_space<hbm>>)
    %dma_wait3A_60 = arith.constant 0 : i32
    %dma_wait3A_61 = arith.constant 0 : i32
    %dma_wait3A_62 = arith.constant 0 : i32
    %dma_wait3A_63 = tpu.memref_slice %arg4[%dma_wait3A_60, %dma_wait3A_61, %dma_wait3A_62] : memref<325x16x4096xf32, #tpu.memory_space<hbm>> -> memref<1x8x2048xf32, #tpu.memory_space<hbm>>
    %dma_wait3A_64 = tpu.memref_squeeze %dma_wait3A_63 : memref<1x8x2048xf32, #tpu.memory_space<hbm>> -> memref<8x2048xf32, #tpu.memory_space<hbm>>
    %dma_wait3A_65 = arith.constant 0 : i32
    %dma_wait3A_66 = arith.constant 0 : i32
    %dma_wait3A_67 = tpu.memref_slice %arg4[%dma_wait3A_60, %dma_wait3A_65, %dma_wait3A_66] : memref<325x16x4096xf32, #tpu.memory_space<hbm>> -> memref<1x8x2048xf32, #tpu.memory_space<hbm>>
    %dma_wait3A_68 = tpu.memref_squeeze %dma_wait3A_67 : memref<1x8x2048xf32, #tpu.memory_space<hbm>> -> memref<8x2048xf32, #tpu.memory_space<hbm>>
    tpu.wait_dma2 semaphore(%arg14 : memref<!tpu.dma_semaphore, #tpu.memory_space<semaphore_mem>>) src(%arg10 : memref<8x2048xf32, #tpu.memory_space<vmem>>) dst(%dma_wait3A_68 : memref<8x2048xf32, #tpu.memory_space<hbm>>)
    return
  }
}

</mosaic_0001>

<sc_bundles>
// kernel: kernel.3.cloned.1.call-start
scs
__scs_entry_jumppad:
0x0: {  	(pc) =	sbr.rel $0x88, $3  }
0x1: {  	(tag) =	ssettag $0x0;
	lr =	simm.s32 $0x1  }
0x2: {  	[smem:$0x3F9F] =	sst lr;
	_ =	strace $0xD0000000  }
0x3: {  	_ = 	snop  }
0x4: {  	_ = 	snop  }
0x5: {  	_ = 	snop  }
0x6: {  	_ = 	snop  }
0x7: {  	_ = 	snop  }
__scs_overlays_trampoline_lowered:
0x8: {  	[smem:$0x3FAE] =	sst s0  }
0x9: {  	[smem:$0x3FAF] =	sst s1  }
0xa: {  	[smem:$0x3FB0] =	sst s2  }
0xb: {  	[smem:$0x3FB1] =	sst s3  }
0xc: {  	[smem:$0x3FB2] =	sst s4  }
0xd: {  	[smem:$0x3FB3] =	sst s5  }
0xe: {  	[smem:$0x3FB4] =	sst s6  }
0xf: {  	[smem:$0x3FB5] =	sst s7  }
0x10: {  	[smem:$0x3FB6] =	sst s8  }
0x11: {  	[smem:$0x3FB7] =	sst s9;
	s0 =	simm.s32 @!p0 $0x0  }
0x12: {  	s1 =	sld [smem:$0x3F9D];
	s0 =	simm.s32 @p0 $0x1  }
0x13: {  	[smem:$0x3FB8] =	sst s0;
	s0 =	simm.s32 @!p1 $0x0  }
0x14: {  	s2 =	sld [smem:$0x3F9C];
	s0 =	simm.s32 @p1 $0x1  }
0x15: {  	[smem:$0x3FB9] =	sst s0;
	s0 =	simm.s32 @!p2 $0x0  }
0x16: {  	s3 =	sld [smem:$0x3FDB];
	s0 =	simm.s32 @p2 $0x1  }
0x17: {  	s4 =	simm.s32 $0x1BF5;
	[smem:$0x3FBB] =	sst s0  }
0x18: {  	s0 =	sld [smem:$0x3F9E];
	_ =	swait.ge [sflag:s4], $0x0  }
0x19: {  	s7 =	sld [smem:$0x3F9F]  }
0x1a: {  	s8 =	sadd.s32 $0xFFFFE003, lr  }
0x1b: {  	s9 =	sadd.s32 $0xFFFFFEF7, lr;
	s5 =	simm.s32 $0xFFFFFFFF;
	p2 =	slt.u32 s8, $0xFFFFF086  }
0x1c: {  	p1 =	slt.u32 s9, $0xF7A;
	s5 =	simm.s32 @!p2 $0x0  }
0x1d: {  	s5 =	simm.s32 @p1 $0x1;
	p0 =	seq.s32 s7, s2  }
0x1e: {  	s7 =	smul.u32 @!p0 $0xF7A, s2;
	p2 =	seq.s32 @!p0 s5, $0x0  }
0x1f: {  	s9 =	smul.u32 $0xF7A, s1;
	s8 =	simm.s32 @!p0 $0x1BF5;
	p2 =	por !p2, p0  }
0x20: {  	[sflag:s8] =	ssyncset.s32 @!p0 $0xFFFFF086;
	s6 =	sadd.s32 @!p0 s3, s7;
	s7 =	simm.s32 @!p0 $0x108  }
0x21: {  	s3 =	sadd.s32 s3, s9;
	s6 =	sadd.s32 @!p0 $0x88, s6;
	s7 =	simm.s32 @p2 $0x1082  }
0x22: {  	[simem:s7], [sflag:s8] =	dma.local @!p0 [hbm:s6], $0xF7A  }
0x23: {  	s9 =	sor.u32 $0xD0000000, s2;
	s6 =	simm.s32 $0x108;
	_ =	swait.ge @!p0 [sflag:s8], $0x0  }
0x24: {  	s3 =	sadd.s32 $0x88, s3;
	s6 =	simm.s32 @!p1 $0x1082;
	[sflag:s4] =	ssyncset.s32 $0xFFFFF086  }
0x25: {  	[simem:s6], [sflag:s4] =	dma.local [hbm:s3], $0xF7A  }
0x26: {  	[smem:$0x3F9F] =	sst s1;
	(tag) =	ssettag s2;
	_ =	strace s9  }
0x27: {  	s1 =	sld [smem:$0x3FAF]  }
0x28: {  	s2 =	sld [smem:$0x3FB0]  }
0x29: {  	s4 =	sld [smem:$0x3FB2]  }
0x2a: {  	p0 =	seq.s32 s5, $0x0;
	s5 =	sld [smem:$0x3FB3]  }
0x2b: {  	s6 =	sld [smem:$0x3FB4]  }
0x2c: {  	s7 =	sld [smem:$0x3FB5]  }
0x2d: {  	s3 =	simm.s32 $0x108;
	s8 =	sld [smem:$0x3FB6]  }
0x2e: {  	s3 =	simm.s32 @!p0 $0x1082;
	s9 =	sld [smem:$0x3FB7]  }
0x2f: {  	lr =	sadd.s32 s0, s3;
	s0 =	sld [smem:$0x3FAE]  }
0x30: {  	s3 =	sld [smem:$0x3FB1]  }
0x31: {  	[smem:$0x3FBA] =	sst s10  }
0x32: {  	s10 =	sld [smem:$0x3FB8];
	_ =	sdelay $0x3  }
0x33: {  	p0 =	seq.s32 s10, $0x1;
	s10 =	sld [smem:$0x3FBA];
	_ =	sdelay $0x3  }
0x34: {  	[smem:$0x3FBA] =	sst s10  }
0x35: {  	s10 =	sld [smem:$0x3FB9];
	_ =	sdelay $0x3  }
0x36: {  	p1 =	seq.s32 s10, $0x1;
	s10 =	sld [smem:$0x3FBA];
	_ =	sdelay $0x3  }
0x37: {  	[smem:$0x3FBA] =	sst s10  }
0x38: {  	s10 =	sld [smem:$0x3FBB]  }
0x39: {  	_ = 	snop;
	(pc) =	sbr.ind lr, $3  }
0x3a: {  	_ = 	snop  }
0x3b: {  	_ = 	snop  }
0x3c: {  	p2 =	seq.s32 s10, $0x1;
	s10 =	sld [smem:$0x3FBA]  }
0x3d: {  	_ =	shalt  }
0x3e: {  	_ =	shalt  }
0x3f: {  	_ =	shalt  }
0x40: {  	_ =	shalt  }
0x41: {  	_ =	shalt  }
0x42: {  	_ =	shalt  }
0x43: {  	_ =	shalt  }
0x44: {  	_ =	shalt  }
0x45: {  	_ =	shalt  }
0x46: {  	_ =	shalt  }
0x47: {  	_ =	shalt  }
0x48: {  	_ =	shalt  }
0x49: {  	_ =	shalt  }
0x4a: {  	_ =	shalt  }
0x4b: {  	_ =	shalt  }
0x4c: {  	_ =	shalt  }
0x4d: {  	_ =	shalt  }
0x4e: {  	_ =	shalt  }
0x4f: {  	_ =	shalt  }
0x50: {  	_ =	shalt  }
0x51: {  	_ =	shalt  }
0x52: {  	_ =	shalt  }
0x53: {  	_ =	shalt  }
0x54: {  	_ =	shalt  }
0x55: {  	_ =	shalt  }
0x56: {  	_ =	shalt  }
0x57: {  	_ =	shalt  }
0x58: {  	_ =	shalt  }
0x59: {  	_ =	shalt  }
0x5a: {  	_ =	shalt  }
0x5b: {  	_ =	shalt  }
0x5c: {  	_ =	shalt  }
0x5d: {  	_ =	shalt  }
0x5e: {  	_ =	shalt  }
0x5f: {  	_ =	shalt  }
0x60: {  	_ =	shalt  }
0x61: {  	_ =	shalt  }
0x62: {  	_ =	shalt  }
0x63: {  	_ =	shalt  }
0x64: {  	_ =	shalt  }
0x65: {  	_ =	shalt  }
0x66: {  	_ =	shalt  }
0x67: {  	_ =	shalt  }
0x68: {  	_ =	shalt  }
0x69: {  	_ =	shalt  }
0x6a: {  	_ =	shalt  }
0x6b: {  	_ =	shalt  }
0x6c: {  	_ =	shalt  }
0x6d: {  	_ =	shalt  }
0x6e: {  	_ =	shalt  }
0x6f: {  	_ =	shalt  }
0x70: {  	_ =	shalt  }
0x71: {  	_ =	shalt  }
0x72: {  	_ =	shalt  }
0x73: {  	_ =	shalt  }
0x74: {  	_ =	shalt  }
0x75: {  	_ =	shalt  }
0x76: {  	_ =	shalt  }
0x77: {  	_ =	shalt  }
0x78: {  	_ =	shalt  }
0x79: {  	_ =	shalt  }
0x7a: {  	_ =	shalt  }
0x7b: {  	_ =	shalt  }
0x7c: {  	_ =	shalt  }
0x7d: {  	_ =	shalt  }
0x7e: {  	_ =	shalt  }
0x7f: {  	_ =	shalt  }
0x80: {  	_ =	shalt  }
0x81: {  	_ =	shalt  }
0x82: {  	_ =	shalt  }
0x83: {  	_ =	shalt  }
0x84: {  	_ =	shalt  }
0x85: {  	_ =	shalt  }
0x86: {  	_ =	shalt  }
0x87: {  	_ =	shalt  }
.Lfunc_end0:
.L_simem_size_0:
called_computation_lowered:
.L_overlay_start_0:
0x88: {  	s2 =	sld [smem:$0x3FD9]  }
0x89: {  	s3 =	sld [smem:$0x3FFE];
	_ =	sdelay $0x1  }
0x8a: {  	s1 =	srdreg.scid  }
0x8b: {  	s0 =	sand.u32 $0x1, s1  }
0x8c: {  	s18 =	sshll.u32 s0, $0xA;
	s2 =	sadd.s32 s3, s2  }
0x8d: {  	s2 =	sadd.s32 s2, s18  }
0x8e: {  	[smem:$0x3FC6] =	sst s2  }
0x8f: {  	_ = 	snop  }
0x90: {  	s2 =	sld [smem:$0x3FC9]  }
0x91: {  	s19 =	sld [smem:$0x3FC8]  }
0x92: {  	s4 =	sld [smem:$0x3FD0];
	(tm) =	ssettm $0x1  }
0x93: {  	s5 =	sld [smem:$0x3FFB];
	_ =	sdelay $0x3  }
0x94: {  	_ =	strace s5  }
0x95: {  	s5 =	sld [smem:$0x3FFC];
	_ =	sdelay $0x3  }
0x96: {  	_ =	strace s5  }
0x97: {  	s5 =	sld [smem:$0x3FFD];
	_ =	sdelay $0x3  }
0x98: {  	_ =	strace s5  }
0x99: {  	_ =	strace $0x8FFFFFFF  }
0x9a: {  	s20 =	sld [smem:$0x3FDB];
	_ =	sdelay $0x1  }
0x9b: {  	s6 =	simm.s32 $_scs_section_size  }
0x9c: {  	s7 =	simm.s32 $_size__tile_overlayer_lowered;
	s8 =	simm.s32 $_tile_overlayer_lowered  }
0x9d: {  	s23 =	simm.s32 $0x1BFF;
	s22 =	sshll.u32 s8, $0x1;
	s5 =	sadd.s32 s6, s20  }
0x9e: {  	s9 =	simm.s32 $0x0;
	s21 =	sshll.u32 s7, $0x1;
	s7 =	sadd.s32 s22, s5  }
0x9f: {  	[timem:s9], [sflag:s23] =	dma.local [hbm:s7], s21  }
0xa0: {  	_ =	swait.ge [sflag:s23], s21  }
0xa1: {  	s6 =	ssub.s32 $0x0, s21;
	[sflag:s23] =	ssyncset.done $0x0  }
0xa2: {  	[sflag:s23] =	ssyncadd.s32 s6;
	_ =	sdelay $0x1  }
0xa3: {  	s24 =	simm.s32 $0x1B8B  }
0xa4: {  	_ =	swait.ge [sflag:s24], $0x1  }
0xa5: {  	[sflag:s24] =	ssyncset.done $0x0  }
0xa6: {  	s25 =	simm.s32 $0x1B8E;
	[sflag:s24] =	ssyncadd.s32 $0xFFFFFFFF  }
0xa7: {  	s26 =	simm.s32 $execute0_lowered;
	[smem:$0x3FD2] =	sst s25  }
0xa8: {  	s6 =	sshll.u32 s26, $0x1;
	_ =	strace $0x80000046;
	[dreg:$0x1] =	wrdreg $0xFFFFFFFF  }
0xa9: {  	s28 =	simm.s32 $_size_execute0_lowered;
	s5 =	sadd.s32 s5, s6;
	[dreg:$0x0] =	wrdreg $0x0  }
0xaa: {  	s6 =	sshll.u32 s28, $0x1;
	[dreg:$0x2] =	wrdreg s5  }
0xab: {  	[dreg:$0x3] =	wrdreg s6  }
0xac: {  	[dreg:$0x4] =	wrdreg $0xC0  }
0xad: {  	_ =	task [dreg:s9], $0x5FFFF  }
0xae: {  	[dreg:$0x1] =	wrdreg $0xFFFFFFFF  }
0xaf: {  	[dreg:$0x0] =	wrdreg $0x60  }
0xb0: {  	[dreg:$0x2] =	wrdreg s19  }
0xb1: {  	[dreg:$0x3] =	wrdreg s2  }
0xb2: {  	[dreg:$0x4] =	wrdreg s4  }
0xb3: {  	[dreg:$0x5] =	wrdreg $0x9  }
0xb4: {  	_ =	task.clear_ibuf [dreg:s9], $0x6FFFF;
	_ =	strace $0x90000046  }
0xb5: {  	s29 =	simm.s32 $0x9;
	_ =	strace $0x80000048  }
0xb6: {  	_ =	swait.ge [sflag:s29], $0x1  }
0xb7: {  	[sflag:s29] =	ssyncadd.s32 $0xFFFFFFFF  }
0xb8: {  	_ =	strace $0x90000048  }
0xb9: {  	_ =	sfence  }
0xba: {  	s30 =	sld [smem:$0x0];
	_ =	sdelay $0x2  }
0xbb: {  	s31 =	sshll.u32 s1, $0xD;
	s1 =	sshrl.u32 s1, $0x2  }
0xbc: {  	s3 =	sand.u32 $0x4000, s31;
	s1 =	sadd.s32 s1, s30  }
0xbd: {  	s0 =	sor.u32 s3, s0;
	s1 =	sshll.u32 s1, $0x11  }
0xbe: {  	s0 =	sor.u32 s1, s0  }
0xbf: {  	s0 =	sadd.s32 $0x8F2B, s0  }
0xc0: {  	[sflag:s0] =	ssyncadd.remote.s32 $0x1  }
0xc1: {  	_ =	sfence.sel $0xFFFF  }
0xc2: {  	[dreg:$0x0] =	wrdreg $0xFFFFFFFF;
	(pc) =	sbr.abs _section_cstart, $3  }
0xc3: {  	[dreg:$0x1] =	wrdreg $0xFFFFFFFF  }
0xc4: {  	_ =	task.clear_ibuf [dreg:s9], $0x2FFFF;
	_ =	strace $0x9FFFFFFF  }
0xc5: {  	(tm) =	ssettm $0x7FFFFFFF  }
tec
execute0_lowered:
.L_overlay_start_1:
0x0: {  	(tag) =	ssettag $0x1  }
0x1: {  	s0 =	srdreg.scid  }
0x2: {  	s3 =	rddreg [dreg:$0x2];
	s1 =	stileid.u32;
	s0 =	sand.u32 $0x1, s0  }
0x3: {  	s5 =	simm.s32 $0x0;
	s1 =	sshll.u32 s1, $0x1;
	s2 =	ssub.s32 $0x2, s0  }
0x4: {  	[smem:$0x7FF] =	sst s5;
	s0 =	sor.u32 s0, s1;
	s25 =	sshrl.u32 s2, $0x1  }
0x5: {  	s31 =	sadd.s32 $0x800, s3;
	s0 =	smul.u32 $0x28A, s0;
	s1 =	ssub.s32 s2, s25  }
0x6: {  	_ =	strace $0x80000047;
	[dreg:$0x9] =	wrdreg s31;
	s1 =	smax.u32 s1, $0x1  }
0x7: {  	s8 =	sshrl.u32 s0, $0x5;
	[dreg:$0xa] =	wrdreg s1  }
.Ltmp0:
0x8: {  	s4 =	sshrl.u32 s0, $0x6;
	[dreg:$0x4] =	wrdreg s8;
	(pc) =	sbr.rel .LBB2_1-.Ltmp0, $4  }
0x9: {  	s29 =	sand.u32 $0x1, s8;
	[dreg:$0x5] =	wrdreg s4  }
0xa: {  	s26 =	sadd.s32 $0x28A, s0;
	s30 =	sadd.s32 $0x1, s4;
	[dreg:$0x7] =	wrdreg s29  }
0xb: {  	s14 =	simm.s32 $0x8000;
	s28 =	sshrl.u32 s26, $0x5;
	[dreg:$0x8] =	wrdreg s30  }
0xc: {  	s2 =	simm.s32 $0x0;
	[dreg:$0x6] =	wrdreg s28;
	p0 =	sge.u32 s8, s28  }
.LBB2_10:
0xd: {  	s1 =	simm.s32 $0x4  }
0xe: {  	_ =	swait.ge [sflag:s1], $0x4000  }
0xf: {  	[sflag:s1] =	ssyncset.done $0x0  }
0x10: {  	[sflag:s1] =	ssyncadd.s32 $0xFFFFC000  }
0x11: {  	_ =	swait.ge [sflag:s1], $0x4000  }
0x12: {  	s2 =	rddreg [dreg:$0xb]  }
0x13: {  	s0 =	rddreg [dreg:$0xa];
	s2 =	sadd.s32 $0x1, s2  }
0x14: {  	p1 =	sne.s32 s2, s0  }
.Ltmp1:
0x15: {  	_ = 	snop;
	(pc) =	sbr.rel @!p1 .LBB2_11-.Ltmp1, $3  }
0x16: {  	_ =	sdelay $0x1  }
0x17: {  	[sflag:s1] =	ssyncset.done $0x0  }
0x18: {  	s4 =	rddreg [dreg:$0x5];
	[sflag:s1] =	ssyncadd.s32 $0xFFFFC000  }
.LBB2_1:
0x19: {  	[dreg:$0xb] =	wrdreg s2  }
0x1a: {  	s0 =	simm.s32 $0x32;
	s25 =	simm.s32 $0x0;
	s1 =	simm.s32 $0x1  }
.LBB2_2:
0x1b: {  	s2 =	smul.u32 s1, s0;
	_ =	sdelay $0x1  }
0x1c: {  	s2 =	sshrl.u32 s2, $0x1  }
0x1d: {  	p1 =	sle.u32 s2, s4;
	s2 =	simm.s32 $0x1  }
0x1e: {  	s2 =	simm.s32 @!p1 $0x0;
	p1 =	sne.s32 s0, $0x1A  }
.Ltmp2:
0x1f: {  	_ = 	snop;
	(pc) =	sbr.rel @p1 .LBB2_2-.Ltmp2, $2  }
0x20: {  	_ =	sdelay $0x2  }
0x21: {  	s1 =	sadd.s32 $0x1, s1;
	s0 =	sadd.s32 $0xFFFFFFFF, s0;
	s25 =	sadd.s32 s2, s25  }
.Ltmp3:
0x22: {  	(pc) =	sbr.rel @p0 .LBB2_10-.Ltmp3, $1  }
0x23: {  	_ =	sdelay $0x3  }
0x24: {  	s0 =	ssub.s32 $0x33, s25  }
0x25: {  	s0 =	smul.u32 s25, s0;
	_ =	sdelay $0x1  }
0x26: {  	s31 =	rddreg [dreg:$0x8];
	s1 =	sand.u32 $0x1, s0  }
0x27: {  	s2 =	sshrl.u32 s0, $0x1F;
	p1 =	slt.s32 s0, $0x1;
	p2 =	seq.s32 s1, $0x1  }
0x28: {  	s1 =	sadd.s32 s25, s31;
	s0 =	sadd.s32 s2, s0;
	p1 =	por !p1, !p2  }
0x29: {  	s2 =	simm.s32 $0x1;
	s0 =	sshra.s32 s0, $0x1;
	p1 =	por !p1, !p1  }
0x2a: {  	s0 =	ssub.s32 s1, s0;
	s2 =	simm.s32 @!p1 $0x0  }
0x2b: {  	s28 =	rddreg [dreg:$0x7];
	s29 =	smov.u32 s8;
	s26 =	sadd.s32 s2, s0  }
.LBB2_5:
0x2c: {  	s1 =	smul.u32 $0xF06, s25  }
0x2d: {  	s0 =	sshll.u32 s26, $0x4;
	s2 =	sshll.u32 s28, $0x3  }
0x2e: {  	s0 =	sadd.s32 s0, s2;
	s3 =	sand.u32 $0xFFFFFF80, s1  }
0x2f: {  	s0 =	sshrl.u32 s0, $0x3;
	p1 =	slt.s32 s3, $0x17700  }
0x30: {  	s6 =	rddreg [dreg:$0x0];
	s0 =	smul.u32 $0x18700, s0;
	s3 =	simm.s32 @!p1 $0x17700  }
0x31: {  	s7 =	sadd.s32 s6, s3  }
0x32: {  	s4 =	smul.u32 $0xF06, s26;
	s19 =	sshll.u32 s25, $0x4;
	s0 =	sadd.s32 s0, s7  }
0x33: {  	[tilespmem:s5], [sflag:$0x1] =	stream.linear.gather [hbm4b:s0+s5], $0x8000, $0x38;
	[tilespmem:$0x1A000] =	vst v63  }
0x34: {  	s7 =	sand.u32 $0xFFFFFF80, s4;
	s0 =	sadd.s32 s19, s2  }
0x35: {  	p1 =	slt.s32 s7, $0x17700;
	s0 =	sshrl.u32 s0, $0x3  }
0x36: {  	s7 =	simm.s32 @!p1 $0x17700;
	p1 =	seq.s32 s29, s8;
	s0 =	smul.u32 $0x18700, s0  }
0x37: {  	s20 =	sadd.s32 s6, s7;
	p2 =	sne.s32 @!p1 s28, $0x0  }
0x38: {  	p1 =	por p1, !p2;
	s0 =	sadd.s32 s0, s20  }
0x39: {  	[tilespmem:s14], [sflag:$0x2] =	stream.linear.gather [hbm4b:s0+s5], $0x8000, $0x38;
	[tilespmem:$0x1A000] =	vst v63  }
0x3a: {  	s2 =	sshll.u32 @p1 s25, $0x7;
	s0 =	sshll.u32 @p1 s25, $0xC  }
0x3b: {  	s2 =	sand.u32 @p1 $0x380, s2;
	s0 =	sand.u32 @p1 $0xFFFF8000, s0  }
0x3c: {  	s0 =	sor.u32 @p1 s2, s0  }
0x3d: {  	s6 =	rddreg @p1 [dreg:$0x1];
	s9 =	simm.s32 @p1 $0x80;
	s0 =	sshrl.u32 @p1 s0, $0x3  }
0x3e: {  	s10 =	simm.s32 @p1 $0x400;
	s2 =	simm.s32 @p1 $0x10000;
	s0 =	sadd.s32 @p1 s6, s0  }
0x3f: {  	[tilespmem:s2], [sflag:$0x3] =	stream.strided.gather @p1 [hbm4b:s0+s9], $0x1000, s10, s9, $0x38;
	[tilespmem:$0x1A000] =	vst v63  }
0x40: {  	s0 =	sshll.u32 @p1 s26, $0xC;
	s2 =	sshll.u32 @p1 s26, $0x7  }
0x41: {  	s0 =	sand.u32 @p1 $0xFFFF8000, s0;
	s2 =	sand.u32 @p1 $0x380, s2  }
0x42: {  	s0 =	sor.u32 @p1 s2, s0  }
0x43: {  	s0 =	sshrl.u32 @p1 s0, $0x3  }
0x44: {  	s2 =	simm.s32 @p1 $0x11000;
	s0 =	sadd.s32 @p1 s6, s0  }
0x45: {  	[tilespmem:s2], [sflag:$0x3] =	stream.strided.gather @p1 [hbm4b:s0+s9], $0x1000, s10, s9, $0x38;
	[tilespmem:$0x1A000] =	vst v63  }
0x46: {  	s0 =	simm.s32 @p1 $0x3  }
0x47: {  	_ =	swait.ge @p1 [sflag:s0], $0x1000  }
0x48: {  	[sflag:s0] =	ssyncset.done @p1 $0x0  }
0x49: {  	[sflag:s0] =	ssyncadd.s32 @p1 $0xFFFFF000  }
0x4a: {  	_ =	swait.ge @p1 [sflag:s0], $0x1000  }
0x4b: {  	[sflag:s0] =	ssyncset.done @p1 $0x0  }
0x4c: {  	s21 =	simm.s32 $0x1;
	[sflag:s0] =	ssyncadd.s32 @p1 $0xFFFFF000  }
0x4d: {  	_ =	swait.ge [sflag:s21], $0x8000  }
0x4e: {  	[sflag:s21] =	ssyncset.done $0x0  }
0x4f: {  	s22 =	simm.s32 $0x2;
	[sflag:s21] =	ssyncadd.s32 $0xFFFF8000  }
0x50: {  	_ =	swait.ge [sflag:s22], $0x8000  }
0x51: {  	p1 =	sle.u32 s29, s8;
	[sflag:s22] =	ssyncset.done $0x0  }
0x52: {  	s0 =	simm.s32 @!p1 $0x4;
	[sflag:s22] =	ssyncadd.s32 $0xFFFF8000  }
0x53: {  	_ =	swait.ge @!p1 [sflag:s0], $0x4000  }
0x54: {  	s30 =	simm.s32 $0x0;
	[sflag:s0] =	ssyncset.done @!p1 $0x0  }
0x55: {  	s23 =	simm.s32 $0x10000;
	s6 =	sand.u32 $0x40, s30;
	[sflag:s0] =	ssyncadd.s32 @!p1 $0xFFFFC000  }
0x56: {  	s24 =	simm.s32 $0x11000;
	s10 =	sand.u32 $0x780, s30;
	s11 =	sor.u32 $0x30, s6;
	v2 =	vld [tilespmem:s23+$0x0]  }
0x57: {  	s12 =	sor.u32 s10, s11;
	v3 =	vld [tilespmem:s24+$0x0]  }
0x58: {  	v5 =	vld [tilespmem:s12+$0x11000];
	_ =	sdelay $0x1  }
0x59: {  	s1 =	ssub.s32 s1, s3;
	v4 =	vld [tilespmem:s12+$0x10000]  }
0x5a: {  	v0 =	vmov s1;
	s13 =	ssub.s32 s4, s7;
	s15 =	sor.u32 $0x10, s6  }
0x5b: {  	v1 =	vmov s13;
	s16 =	sor.u32 s10, s15;
	v2 =	vadd.s32 v0, v2  }
0x5c: {  	v8 =	vld [tilespmem:s16+$0x10000];
	v3 =	vadd.s32 v1, v3;
	v5 =	vadd.s32 v1, v5;
	v6 =	vshll.u32 v2, $0x3  }
0x5d: {  	s17 =	sor.u32 $0x20, s6;
	v10 =	vld [tilespmem:s16+$0x11000];
	v2 =	vand.u32 $0x7F, v2;
	v9 =	vand.u32 $0x7F, v3;
	v6 =	vand.u32 $0xFFFFFC00, v6  }
0x5e: {  	s18 =	sor.u32 s10, s17;
	v7 =	vshll.u32 v3, $0x3;
	v3 =	vor.u32 v2, v6;
	v2 =	vadd.s32 v0, v4  }
0x5f: {  	v12 =	vld [tilespmem:s18+$0x11000];
	v13 =	vshll.u32 v5, $0x3;
	v6 =	vshll.u32 v2, $0x3  }
0x60: {  	v5 =	vand.u32 $0x7F, v5;
	v4 =	vld [tilespmem:s18+$0x10000];
	v2 =	vand.u32 $0x7F, v2;
	v6 =	vand.u32 $0xFFFFFC00, v6  }
0x61: {  	v11 =	vand.u32 $0xFFFFFC00, v7;
	v7 =	vor.u32 v2, v6;
	v2 =	vand.u32 $0xFFFFFC00, v13  }
0x62: {  	v8 =	vadd.s32 v0, v8;
	v10 =	vadd.s32 v1, v10;
	v6 =	vor.u32 v5, v2  }
0x63: {  	v2 =	vor.u32 v9, v11;
	v5 =	vshll.u32 v8, $0x3;
	v9 =	vshll.u32 v10, $0x3  }
0x64: {  	v11 =	vadd.s32 v1, v12;
	v8 =	vand.u32 $0x7F, v8;
	v10 =	vand.u32 $0x7F, v10  }
0x65: {  	v4 =	vadd.s32 v0, v4;
	v5 =	vand.u32 $0xFFFFFC00, v5;
	v9 =	vand.u32 $0xFFFFFC00, v9  }
0x66: {  	v12 =	vshll.u32 v4, $0x3;
	v8 =	vor.u32 v8, v5;
	v5 =	vshll.u32 v11, $0x3;
	v13 =	vld.idx.msk [tilespmem:v7+s5+$0x0], $0xffff  }
0x67: {  	v4 =	vand.u32 $0x7F, v4;
	v9 =	vor.u32 v10, v9;
	v12 =	vand.u32 $0xFFFFFC00, v12;
	v16 =	vld.idx.msk [tilespmem:v6+s14+$0x0], $0xffff  }
0x68: {  	v10 =	vld.idx.msk [tilespmem:v3+s5+$0x0], $0xffff;
	v11 =	vand.u32 $0x7F, v11;
	v5 =	vand.u32 $0xFFFFFC00, v5;
	v15 =	vor.u32 v4, v12  }
0x69: {  	v14 =	vor.u32 v11, v5;
	v4 =	vld.idx.msk [tilespmem:v2+s14+$0x0], $0xffff  }
0x6a: {  	v5 =	vor.u32 $0x80, v7  }
0x6b: {  	s19 =	sand.u32 $0x3C00, s30;
	v12 =	vor.u32 $0x80, v6;
	v11 =	vld.idx.msk [tilespmem:v8+s5+$0x0], $0xffff  }
0x6c: {  	s20 =	sadd.s32 $0x12000, s19;
	v17 =	vor.u32 $0x80, v3;
	v18 =	vld.idx.msk [tilespmem:v9+s14+$0x0], $0xffff;
	v13 =	vmul.f32 v16, v13  }
0x6d: {  	s3 =	sor.u32 s11, s20;
	v19 =	vld.idx.msk [tilespmem:v15+s5+$0x0], $0xffff;
	v16 =	vor.u32 $0x80, v2  }
0x6e: {  	v4 =	vmul.f32 v4, v10;
	v10 =	vld.idx.msk [tilespmem:v14+s14+$0x0], $0xffff;
	[tilespmem:s3+$0x0] =	vst v13  }
0x6f: {  	s21 =	sor.u32 s6, s20;
	v20 =	vor.u32 $0x80, v9;
	v5 =	vld.idx.msk [tilespmem:v5+s5+$0x0], $0xffff  }
0x70: {  	v13 =	vor.u32 $0x80, v8;
	[tilespmem:s21+$0x0] =	vst v4;
	v4 =	vld.idx.msk [tilespmem:v12+s14+$0x0], $0xffff  }
0x71: {  	v11 =	vmul.f32 v18, v11;
	v12 =	vor.u32 $0x80, v15;
	v17 =	vld.idx.msk [tilespmem:v17+s5+$0x0], $0xffff  }
0x72: {  	s22 =	sor.u32 s15, s20;
	v18 =	vor.u32 $0x80, v14;
	v16 =	vld.idx.msk [tilespmem:v16+s14+$0x0], $0xffff  }
0x73: {  	[tilespmem:s22+$0x0] =	vst v11;
	v11 =	vor.u32 $0x100, v7;
	v10 =	vmul.f32 v10, v19  }
0x74: {  	s23 =	sor.u32 s17, s20;
	v19 =	vor.u32 $0x100, v6;
	v20 =	vld.idx.msk [tilespmem:v20+s14+$0x0], $0xffff  }
0x75: {  	v21 =	vor.u32 $0x100, v3;
	v13 =	vld.idx.msk [tilespmem:v13+s5+$0x0], $0xffff;
	[tilespmem:s23+$0x0] =	vst v10;
	v4 =	vmul.f32 v4, v5  }
0x76: {  	v5 =	vor.u32 $0x100, v2;
	v10 =	vld.idx.msk [tilespmem:v12+s5+$0x0], $0xffff  }
0x77: {  	v12 =	vmul.f32 v16, v17;
	v16 =	vld.idx.msk [tilespmem:v18+s14+$0x0], $0xffff;
	[tilespmem:s3+$0x80] =	vst v4  }
0x78: {  	v4 =	vor.u32 $0x100, v8;
	v11 =	vld.idx.msk [tilespmem:v11+s5+$0x0], $0xffff  }
0x79: {  	v17 =	vor.u32 $0x100, v9;
	[tilespmem:s21+$0x80] =	vst v12;
	v12 =	vld.idx.msk [tilespmem:v19+s14+$0x0], $0xffff  }
0x7a: {  	v18 =	vor.u32 $0x100, v15;
	v13 =	vmul.f32 v20, v13;
	v19 =	vld.idx.msk [tilespmem:v21+s5+$0x0], $0xffff  }
0x7b: {  	s24 =	simm.s32 $0x10040;
	v20 =	vor.u32 $0x100, v14;
	v5 =	vld.idx.msk [tilespmem:v5+s14+$0x0], $0xffff  }
0x7c: {  	v21 =	vld [tilespmem:s24+$0x0];
	[tilespmem:s22+$0x80] =	vst v13;
	v13 =	vor.u32 $0x180, v7;
	v10 =	vmul.f32 v16, v10  }
0x7d: {  	v4 =	vld.idx.msk [tilespmem:v4+s5+$0x0], $0xffff;
	v16 =	vor.u32 $0x180, v6  }
0x7e: {  	v22 =	vor.u32 $0x180, v3;
	v17 =	vld.idx.msk [tilespmem:v17+s14+$0x0], $0xffff;
	[tilespmem:s23+$0x80] =	vst v10;
	v10 =	vmul.f32 v12, v11  }
0x7f: {  	v11 =	vor.u32 $0x180, v2;
	v12 =	vld.idx.msk [tilespmem:v18+s5+$0x0], $0xffff  }
0x80: {  	v5 =	vmul.f32 v5, v19;
	v18 =	vld.idx.msk [tilespmem:v20+s14+$0x0], $0xffff;
	[tilespmem:s3+$0x100] =	vst v10  }
0x81: {  	v19 =	vor.u32 $0x180, v9;
	v13 =	vld.idx.msk [tilespmem:v13+s5+$0x0], $0xffff  }
0x82: {  	v10 =	vor.u32 $0x180, v8;
	[tilespmem:s21+$0x100] =	vst v5;
	v5 =	vld.idx.msk [tilespmem:v16+s14+$0x0], $0xffff  }
0x83: {  	v16 =	vor.u32 $0x180, v15;
	v4 =	vmul.f32 v17, v4;
	v20 =	vld.idx.msk [tilespmem:v22+s5+$0x0], $0xffff  }
0x84: {  	s0 =	simm.s32 $0x11040;
	v17 =	vor.u32 $0x180, v14;
	v11 =	vld.idx.msk [tilespmem:v11+s14+$0x0], $0xffff  }
0x85: {  	v22 =	vld [tilespmem:s0+$0x0];
	[tilespmem:s22+$0x100] =	vst v4;
	v4 =	vmul.f32 v18, v12;
	v12 =	vor.u32 $0x200, v7  }
0x86: {  	v18 =	vor.u32 $0x200, v6;
	v19 =	vld.idx.msk [tilespmem:v19+s14+$0x0], $0xffff  }
0x87: {  	v23 =	vor.u32 $0x200, v3;
	v10 =	vld.idx.msk [tilespmem:v10+s5+$0x0], $0xffff;
	[tilespmem:s23+$0x100] =	vst v4;
	v4 =	vmul.f32 v5, v13  }
0x88: {  	v5 =	vor.u32 $0x200, v2;
	v13 =	vld.idx.msk [tilespmem:v16+s5+$0x0], $0xffff  }
0x89: {  	v16 =	vld.idx.msk [tilespmem:v17+s14+$0x0], $0xffff;
	v11 =	vmul.f32 v11, v20;
	[tilespmem:s3+$0x180] =	vst v4  }
0x8a: {  	v4 =	vor.u32 $0x200, v8;
	v12 =	vld.idx.msk [tilespmem:v12+s5+$0x0], $0xffff  }
0x8b: {  	v17 =	vor.u32 $0x200, v9;
	[tilespmem:s21+$0x180] =	vst v11;
	v11 =	vld.idx.msk [tilespmem:v18+s14+$0x0], $0xffff  }
0x8c: {  	p2 =	por $0x0, $0x0;
	s3 =	simm.s32 $0x1;
	v18 =	vor.u32 $0x200, v15;
	v10 =	vmul.f32 v19, v10;
	v20 =	vld.idx.msk [tilespmem:v23+s5+$0x0], $0xffff  }
0x8d: {  	s3 =	simm.s32 @!p2 $0x0;
	v19 =	vor.u32 $0x200, v14;
	v5 =	vld.idx.msk [tilespmem:v5+s14+$0x0], $0xffff  }
0x8e: {  	v21 =	vadd.s32 v0, v21;
	s3 =	sshll.u32 s3, $0x6;
	[tilespmem:s22+$0x180] =	vst v10;
	v10 =	vmul.f32 v16, v13;
	v13 =	vor.u32 $0x280, v7  }
0x8f: {  	v25 =	vor.u32 $0x280, v6;
	s8 =	sadd.s32 $0x0, s3;
	v16 =	vand.u32 $0x7F, v21;
	v24 =	vld.idx.msk [tilespmem:v4+s5+$0x0], $0xffff  }
0x90: {  	s10 =	sadd.s32 $0x30, s8;
	v4 =	vshll.u32 v21, $0x3;
	v21 =	vor.u32 $0x280, v3;
	v17 =	vld.idx.msk [tilespmem:v17+s14+$0x0], $0xffff;
	[tilespmem:s23+$0x180] =	vst v10;
	v10 =	vmul.f32 v11, v12  }
0x91: {  	v22 =	vadd.s32 v1, v22;
	s3 =	sor.u32 $0x200, s10;
	v4 =	vand.u32 $0xFFFFFC00, v4;
	v12 =	vor.u32 $0x280, v2;
	v18 =	vld.idx.msk [tilespmem:v18+s5+$0x0], $0xffff  }
0x92: {  	v4 =	vor.u32 v16, v4;
	v19 =	vld.idx.msk [tilespmem:v19+s14+$0x0], $0xffff;
	v16 =	vmul.f32 v5, v20;
	[tilespmem:s3+$0x12000] =	vst v10  }
0x93: {  	s4 =	sor.u32 $0x200, s8;
	v11 =	vshll.u32 v22, $0x3;
	v10 =	vld.idx.msk [tilespmem:v13+s5+$0x0], $0xffff  }
0x94: {  	s12 =	simm.s32 $0x40;
	v23 =	vand.u32 $0x7F, v22;
	v11 =	vand.u32 $0xFFFFFC00, v11;
	[tilespmem:s4+$0x12000] =	vst v16;
	v13 =	vld.idx.msk [tilespmem:v25+s14+$0x0], $0xffff  }
0x95: {  	v5 =	vor.u32 v23, v11;
	s4 =	sand.u32 $0x40, s12;
	v20 =	vld.idx.msk [tilespmem:v21+s5+$0x0], $0xffff  }
0x96: {  	s13 =	sand.u32 $0x780, s12;
	v11 =	vor.u32 $0x280, v8;
	s15 =	sor.u32 $0x30, s4;
	v21 =	vld.idx.msk [tilespmem:v12+s14+$0x0], $0xffff  }
0x97: {  	v16 =	vor.u32 $0x280, v9;
	v12 =	vmul.f32 v17, v24;
	v17 =	vld.idx.msk [tilespmem:v4+s5+$0x0], $0xffff;
	s16 =	sor.u32 s13, s15  }
0x98: {  	s6 =	sadd.s32 $0x10, s8;
	v30 =	vld [tilespmem:s16+$0x10000]  }
0x99: {  	s11 =	sor.u32 $0x200, s6;
	v31 =	vld [tilespmem:s16+$0x11000]  }
0x9a: {  	v29 =	vor.u32 $0x300, v8;
	v27 =	vor.u32 $0x280, v15;
	v22 =	vld.idx.msk [tilespmem:v5+s14+$0x0], $0xffff;
	[tilespmem:s11+$0x12000] =	vst v12  }
0x9b: {  	v28 =	vor.u32 $0x280, v14;
	v23 =	vor.u32 $0x300, v7;
	v25 =	vor.u32 $0x300, v6;
	s16 =	sor.u32 $0x10, s4;
	v24 =	vld.idx.msk [tilespmem:v11+s5+$0x0], $0xffff  }
0x9c: {  	v12 =	vor.u32 $0x300, v14;
	s18 =	sor.u32 s13, s16;
	v16 =	vld.idx.msk [tilespmem:v16+s14+$0x0], $0xffff;
	v10 =	vmul.f32 v13, v10;
	v11 =	vor.u32 $0x380, v8  }
0x9d: {  	s19 =	sadd.s32 $0x20, s8;
	s17 =	sor.u32 $0x280, s10;
	s21 =	sor.u32 $0x20, s4;
	v8 =	vor.u32 $0x380, v14;
	v14 =	vmul.f32 v19, v18;
	v18 =	vmul.f32 v21, v20;
	v20 =	vld [tilespmem:s18+$0x10000]  }
0x9e: {  	s20 =	sor.u32 $0x200, s19;
	s2 =	sor.u32 s13, s21;
	[tilespmem:s17+$0x12000] =	vst v10;
	v21 =	vld [tilespmem:s18+$0x11000]  }
0x9f: {  	v33 =	vor.u32 $0x300, v3;
	v32 =	vor.u32 $0x300, v9;
	[tilespmem:s20+$0x12000] =	vst v14;
	v14 =	vld [tilespmem:s2+$0x11000]  }
0xa0: {  	v13 =	vor.u32 $0x300, v15;
	v10 =	vor.u32 $0x380, v9;
	v9 =	vor.u32 $0x380, v15;
	v15 =	vld.idx.msk [tilespmem:v23+s5+$0x0], $0xffff  }
0xa1: {  	v37 =	vor.u32 $0x380, v7;
	v34 =	vor.u32 $0x300, v2;
	v19 =	vld.idx.msk [tilespmem:v25+s14+$0x0], $0xffff;
	v30 =	vadd.s32 v0, v30  }
0xa2: {  	v25 =	vmul.f32 v22, v17;
	v22 =	vadd.s32 v1, v31;
	v31 =	vld.idx.msk [tilespmem:v27+s5+$0x0], $0xffff;
	v27 =	vor.u32 $0x380, v6  }
0xa3: {  	v17 =	vld [tilespmem:s2+$0x10000];
	v16 =	vmul.f32 v16, v24;
	v24 =	vand.u32 $0x7F, v30;
	v30 =	vshll.u32 v30, $0x3  }
0xa4: {  	s22 =	sor.u32 $0x280, s6;
	v35 =	vand.u32 $0x7F, v22;
	v22 =	vshll.u32 v22, $0x3;
	v7 =	vand.u32 $0xFFFFFC00, v30  }
0xa5: {  	[tilespmem:s22+$0x12000] =	vst v16;
	v6 =	vor.u32 v24, v7;
	v7 =	vand.u32 $0xFFFFFC00, v22;
	v16 =	vadd.s32 v0, v20  }
0xa6: {  	v36 =	vld.idx.msk [tilespmem:v28+s14+$0x0], $0xffff;
	v20 =	vadd.s32 v1, v21;
	v22 =	vadd.s32 v1, v14;
	v15 =	vmul.f32 v19, v15  }
0xa7: {  	s23 =	sor.u32 $0x300, s10;
	v7 =	vor.u32 v35, v7;
	v28 =	vld.idx.msk [tilespmem:v29+s5+$0x0], $0xffff;
	v19 =	vshll.u32 v16, $0x3;
	v21 =	vshll.u32 v20, $0x3  }
0xa8: {  	v29 =	vld.idx.msk [tilespmem:v32+s14+$0x0], $0xffff;
	v16 =	vand.u32 $0x7F, v16;
	v17 =	vadd.s32 v0, v17;
	v24 =	vand.u32 $0xFFFFFC00, v21;
	[tilespmem:s23+$0x12000] =	vst v15  }
0xa9: {  	v21 =	vshll.u32 v22, $0x3;
	v15 =	vand.u32 $0xFFFFFC00, v19;
	v19 =	vshll.u32 v17, $0x3;
	v14 =	vld.idx.msk [tilespmem:v37+s5+$0x0], $0xffff  }
0xaa: {  	s24 =	sor.u32 $0x280, s8;
	v22 =	vand.u32 $0x7F, v22;
	v63 =	vand.u32 $0xFFFFFC00, v21;
	v30 =	vand.u32 $0xFFFFFC00, v19;
	v19 =	vld.idx.msk [tilespmem:v27+s14+$0x0], $0xffff  }
0xab: {  	[tilespmem:s24+$0x12000] =	vst v18;
	v27 =	vand.u32 $0x7F, v20;
	v15 =	vor.u32 v16, v15;
	v16 =	vand.u32 $0x7F, v17;
	v20 =	vld.idx.msk [tilespmem:v6+s5+$0x0], $0xffff  }
0xac: {  	s31 =	sor.u32 $0x380, s8;
	s9 =	sor.u32 $0x380, s6;
	s1 =	sor.u32 $0x380, s19;
	v17 =	vor.u32 v16, v30;
	v16 =	vor.u32 v22, v63;
	v22 =	vld.idx.msk [tilespmem:v33+s5+$0x0], $0xffff  }
0xad: {  	s3 =	sor.u32 $0x300, s19;
	v26 =	vor.u32 $0x80, v5;
	s11 =	sor.u32 $0x280, s19;
	s17 =	sor.u32 $0x300, s8;
	v23 =	vor.u32 $0x80, v4;
	v18 =	vor.u32 v27, v24;
	v21 =	vld.idx.msk [tilespmem:v7+s14+$0x0], $0xffff  }
0xae: {  	s18 =	simm.s32 $0x4;
	s2 =	sor.u32 $0x300, s6;
	s23 =	simm.s32 $0x10080;
	v44 =	vor.u32 $0x80, v15;
	v27 =	vld.idx.msk [tilespmem:v34+s14+$0x0], $0xffff;
	v43 =	vor.u32 $0x80, v18;
	v42 =	vor.u32 $0x80, v17  }
.LBB2_6:
0xaf: {  	v32 =	vld [tilespmem:s23+$0x0];
	v45 =	vor.u32 $0x100, v15;
	v46 =	vor.u32 $0x100, v18;
	v47 =	vor.u32 $0x80, v16;
	s0 =	sadd.s32 $0x40, s0  }
0xb0: {  	v48 =	vor.u32 $0x100, v17;
	v49 =	vor.u32 $0x80, v6;
	v14 =	vmul.f32 v19, v14;
	s30 =	sadd.s32 $0x200, s30;
	v33 =	vld [tilespmem:s0+$0x0]  }
0xb1: {  	v39 =	vor.u32 $0x180, v15;
	v51 =	vor.u32 $0x100, v16;
	v52 =	vor.u32 $0x80, v7;
	s8 =	sor.u32 $0x380, s10;
	s7 =	sand.u32 $0x3C00, s30;
	v50 =	vld.idx.msk [tilespmem:v15+s5+$0x0], $0xffff  }
0xb2: {  	v40 =	vor.u32 $0x180, v18;
	v38 =	vor.u32 $0x180, v17;
	s7 =	sadd.s32 $0x12000, s7;
	v19 =	vmul.f32 v21, v20;
	v53 =	vld.idx.msk [tilespmem:v18+s14+$0x0], $0xffff;
	[tilespmem:s8+$0x12000] =	vst v14  }
0xb3: {  	v37 =	vor.u32 $0x200, v15;
	v35 =	vor.u32 $0x200, v18;
	v41 =	vor.u32 $0x180, v16;
	s10 =	sor.u32 s4, s7;
	s8 =	sor.u32 s16, s7;
	s15 =	sor.u32 s15, s7;
	v54 =	vld.idx.msk [tilespmem:v17+s5+$0x0], $0xffff  }
0xb4: {  	v24 =	vor.u32 $0x280, v15;
	v34 =	vor.u32 $0x200, v17;
	v30 =	vor.u32 $0x200, v16;
	s4 =	sor.u32 s21, s7;
	v55 =	vld.idx.msk [tilespmem:v16+s14+$0x0], $0xffff;
	[tilespmem:s15+$0x0] =	vst v19  }
0xb5: {  	v21 =	vor.u32 $0x280, v17;
	v20 =	vor.u32 $0x280, v16;
	[tilespmem:s10+$0x0] =	vst v25;
	v25 =	vor.u32 $0x280, v18;
	v49 =	vld.idx.msk [tilespmem:v49+s5+$0x0], $0xffff  }
0xb6: {  	v31 =	vmul.f32 v36, v31;
	v14 =	vor.u32 $0x300, v18;
	v19 =	vor.u32 $0x300, v15;
	v52 =	vld.idx.msk [tilespmem:v52+s14+$0x0], $0xffff  }
0xb7: {  	v36 =	vor.u32 $0x300, v17;
	v56 =	vor.u32 $0x300, v16;
	v28 =	vmul.f32 v29, v28;
	v23 =	vld.idx.msk [tilespmem:v23+s5+$0x0], $0xffff  }
0xb8: {  	v22 =	vmul.f32 v27, v22;
	v15 =	vor.u32 $0x380, v15;
	v29 =	vmul.f32 v53, v50;
	v26 =	vld.idx.msk [tilespmem:v26+s14+$0x0], $0xffff;
	[tilespmem:s11+$0x12000] =	vst v31  }
0xb9: {  	v17 =	vor.u32 $0x380, v17;
	v16 =	vor.u32 $0x380, v16;
	v18 =	vor.u32 $0x380, v18;
	[tilespmem:s2+$0x12000] =	vst v28;
	v27 =	vld.idx.msk [tilespmem:v13+s5+$0x0], $0xffff;
	v13 =	vmovc v36  }
0xba: {  	v28 =	vmul.f32 v55, v54;
	[tilespmem:s8+$0x0] =	vst v29;
	v29 =	vor.u32 $0x100, v6;
	v31 =	vld.idx.msk [tilespmem:v12+s14+$0x0], $0xffff;
	v12 =	vmov v56  }
0xbb: {  	v36 =	vld.idx.msk [tilespmem:v44+s5+$0x0], $0xffff;
	v44 =	vor.u32 $0x100, v7;
	[tilespmem:s17+$0x12000] =	vst v22  }
0xbc: {  	v22 =	vor.u32 $0x100, v4;
	v43 =	vld.idx.msk [tilespmem:v43+s14+$0x0], $0xffff;
	[tilespmem:s4+$0x0] =	vst v28;
	v28 =	vmul.f32 v52, v49  }
0xbd: {  	v49 =	vor.u32 $0x100, v5;
	v42 =	vld.idx.msk [tilespmem:v42+s5+$0x0], $0xffff  }
0xbe: {  	v23 =	vmul.f32 v26, v23;
	v26 =	vld.idx.msk [tilespmem:v47+s14+$0x0], $0xffff;
	[tilespmem:s15+$0x80] =	vst v28  }
0xbf: {  	v28 =	vld.idx.msk [tilespmem:v29+s5+$0x0], $0xffff  }
0xc0: {  	v27 =	vmul.f32 v31, v27;
	[tilespmem:s10+$0x80] =	vst v23;
	v23 =	vld.idx.msk [tilespmem:v44+s14+$0x0], $0xffff  }
0xc1: {  	v22 =	vld.idx.msk [tilespmem:v22+s5+$0x0], $0xffff  }
0xc2: {  	v31 =	vmul.f32 v43, v36;
	v29 =	vld.idx.msk [tilespmem:v49+s14+$0x0], $0xffff;
	[tilespmem:s3+$0x12000] =	vst v27  }
0xc3: {  	v27 =	vld.idx.msk [tilespmem:v11+s5+$0x0], $0xffff;
	v11 =	vmov v15  }
0xc4: {  	v15 =	vmul.f32 v26, v42;
	v26 =	vor.u32 $0x180, v6;
	[tilespmem:s8+$0x80] =	vst v31;
	v31 =	vld.idx.msk [tilespmem:v10+s14+$0x0], $0xffff;
	v10 =	vmov v18  }
0xc5: {  	v36 =	vor.u32 $0x180, v7;
	v18 =	vld.idx.msk [tilespmem:v45+s5+$0x0], $0xffff  }
0xc6: {  	v42 =	vor.u32 $0x180, v4;
	v43 =	vld.idx.msk [tilespmem:v46+s14+$0x0], $0xffff;
	[tilespmem:s4+$0x80] =	vst v15;
	v15 =	vmul.f32 v23, v28  }
0xc7: {  	v23 =	vor.u32 $0x180, v5;
	v28 =	vld.idx.msk [tilespmem:v48+s5+$0x0], $0xffff  }
0xc8: {  	v22 =	vmul.f32 v29, v22;
	v29 =	vld.idx.msk [tilespmem:v51+s14+$0x0], $0xffff;
	[tilespmem:s15+$0x100] =	vst v15  }
0xc9: {  	v15 =	vld.idx.msk [tilespmem:v26+s5+$0x0], $0xffff  }
0xca: {  	v26 =	vmul.f32 v31, v27;
	[tilespmem:s10+$0x100] =	vst v22;
	v22 =	vld.idx.msk [tilespmem:v36+s14+$0x0], $0xffff  }
0xcb: {  	v27 =	vld.idx.msk [tilespmem:v42+s5+$0x0], $0xffff  }
0xcc: {  	v18 =	vmul.f32 v43, v18;
	v23 =	vld.idx.msk [tilespmem:v23+s14+$0x0], $0xffff;
	[tilespmem:s9+$0x12000] =	vst v26  }
0xcd: {  	v26 =	vld.idx.msk [tilespmem:v9+s5+$0x0], $0xffff;
	v9 =	vmov v17  }
0xce: {  	v17 =	vmul.f32 v29, v28;
	[tilespmem:s8+$0x100] =	vst v18;
	v18 =	vor.u32 $0x200, v6;
	v28 =	vld.idx.msk [tilespmem:v8+s14+$0x0], $0xffff;
	v8 =	vmov v16  }
0xcf: {  	v29 =	vor.u32 $0x200, v7;
	v16 =	vld.idx.msk [tilespmem:v39+s5+$0x0], $0xffff  }
0xd0: {  	v31 =	vor.u32 $0x200, v4;
	v15 =	vmul.f32 v22, v15;
	v36 =	vld.idx.msk [tilespmem:v40+s14+$0x0], $0xffff;
	[tilespmem:s4+$0x100] =	vst v17  }
0xd1: {  	v17 =	vor.u32 $0x200, v5;
	v22 =	vld.idx.msk [tilespmem:v38+s5+$0x0], $0xffff  }
0xd2: {  	v23 =	vmul.f32 v23, v27;
	v27 =	vld.idx.msk [tilespmem:v41+s14+$0x0], $0xffff;
	[tilespmem:s15+$0x180] =	vst v15;
	v15 =	vor.u32 $0x380, v3;
	v3 =	vmov v4  }
0xd3: {  	v4 =	vld.idx.msk [tilespmem:v18+s5+$0x0], $0xffff;
	v18 =	vor.u32 $0x380, v2;
	v2 =	vmov v5  }
0xd4: {  	[tilespmem:s10+$0x180] =	vst v23;
	v5 =	vld.idx.msk [tilespmem:v29+s14+$0x0], $0xffff;
	v23 =	vmul.f32 v28, v26  }
0xd5: {  	v26 =	vld.idx.msk [tilespmem:v31+s5+$0x0], $0xffff  }
0xd6: {  	p2 =	por !p2, !p2;
	v16 =	vmul.f32 v36, v16;
	v17 =	vld.idx.msk [tilespmem:v17+s14+$0x0], $0xffff;
	[tilespmem:s1+$0x12000] =	vst v23;
	s1 =	simm.s32 $0x1  }
0xd7: {  	v23 =	vadd.s32 v0, v32;
	s1 =	simm.s32 @!p2 $0x0;
	v15 =	vld.idx.msk [tilespmem:v15+s5+$0x0], $0xffff  }
0xd8: {  	v28 =	vadd.s32 v1, v33;
	s1 =	sshll.u32 s1, $0x6;
	[tilespmem:s8+$0x180] =	vst v16;
	v16 =	vmul.f32 v27, v22;
	v22 =	vor.u32 $0x280, v6;
	v18 =	vld.idx.msk [tilespmem:v18+s14+$0x0], $0xffff  }
0xd9: {  	v29 =	vand.u32 $0x7F, v28;
	v32 =	vor.u32 $0x280, v7;
	v27 =	vand.u32 $0x7F, v23;
	s7 =	sadd.s32 s1, s30;
	v31 =	vld.idx.msk [tilespmem:v37+s5+$0x0], $0xffff  }
0xda: {  	v33 =	vor.u32 $0x280, v3;
	v23 =	vshll.u32 v23, $0x3;
	v5 =	vmul.f32 v5, v4;
	v35 =	vld.idx.msk [tilespmem:v35+s14+$0x0], $0xffff;
	s1 =	sadd.s32 $0x10, s7;
	[tilespmem:s4+$0x180] =	vst v16;
	s4 =	sadd.s32 $0x20, s7;
	s10 =	sadd.s32 $0x30, s7  }
0xdb: {  	v4 =	vand.u32 $0xFFFFFC00, v23;
	v23 =	vor.u32 $0x280, v2;
	v16 =	vshll.u32 v28, $0x3;
	s13 =	sor.u32 $0x200, s1;
	v28 =	vld.idx.msk [tilespmem:v34+s5+$0x0], $0xffff;
	s19 =	sor.u32 $0x200, s4;
	s2 =	sor.u32 $0x200, s10  }
0xdc: {  	v4 =	vor.u32 v27, v4;
	s9 =	sor.u32 $0x200, s7;
	v16 =	vand.u32 $0xFFFFFC00, v16;
	v17 =	vmul.f32 v17, v26;
	s8 =	sor.u32 $0x280, s1;
	s11 =	sor.u32 $0x280, s4;
	v26 =	vld.idx.msk [tilespmem:v30+s14+$0x0], $0xffff;
	[tilespmem:s2+$0x12000] =	vst v5  }
0xdd: {  	s20 =	sor.u32 $0x280, s7;
	s3 =	sor.u32 $0x300, s4;
	v5 =	vor.u32 v29, v16;
	s2 =	sor.u32 $0x300, s1;
	v16 =	vld.idx.msk [tilespmem:v22+s5+$0x0], $0xffff  }
0xde: {  	s17 =	sor.u32 $0x300, s7;
	v15 =	vmul.f32 v18, v15;
	[tilespmem:s9+$0x12000] =	vst v17;
	s9 =	sor.u32 $0x380, s1;
	s1 =	sor.u32 $0x380, s4;
	v17 =	vld.idx.msk [tilespmem:v32+s14+$0x0], $0xffff  }
0xdf: {  	s4 =	sor.u32 $0x380, s7;
	v18 =	vld.idx.msk [tilespmem:v33+s5+$0x0], $0xffff  }
0xe0: {  	v22 =	vld.idx.msk [tilespmem:v23+s14+$0x0], $0xffff;
	v23 =	vmul.f32 v35, v31;
	[tilespmem:s31+$0x12000] =	vst v15;
	s31 =	smov.u32 s4  }
0xe1: {  	s12 =	sadd.s32 $0x40, s12;
	v15 =	vld.idx.msk [tilespmem:v4+s5+$0x0], $0xffff  }
0xe2: {  	s4 =	sand.u32 $0x40, s12;
	v27 =	vld.idx.msk [tilespmem:v5+s14+$0x0], $0xffff;
	[tilespmem:s13+$0x12000] =	vst v23;
	v23 =	vmul.f32 v26, v28;
	v26 =	vor.u32 $0x300, v6  }
0xe3: {  	s7 =	sand.u32 $0x780, s12;
	s16 =	sor.u32 $0x10, s4;
	s15 =	sor.u32 $0x30, s4;
	v28 =	vor.u32 $0x300, v7;
	v24 =	vld.idx.msk [tilespmem:v24+s5+$0x0], $0xffff  }
0xe4: {  	s21 =	sor.u32 $0x20, s4;
	s13 =	sor.u32 s7, s16;
	s22 =	sor.u32 s7, s15;
	v16 =	vmul.f32 v17, v16;
	v25 =	vld.idx.msk [tilespmem:v25+s14+$0x0], $0xffff;
	[tilespmem:s19+$0x12000] =	vst v23  }
0xe5: {  	s7 =	sor.u32 s7, s21;
	s19 =	sor.u32 $0x280, s10;
	v17 =	vld [tilespmem:s22+$0x10000]  }
0xe6: {  	v18 =	vmul.f32 v22, v18;
	v29 =	vld [tilespmem:s22+$0x11000];
	[tilespmem:s19+$0x12000] =	vst v16  }
0xe7: {  	v16 =	vld.idx.msk [tilespmem:v26+s5+$0x0], $0xffff  }
0xe8: {  	[tilespmem:s20+$0x12000] =	vst v18;
	v18 =	vld.idx.msk [tilespmem:v28+s14+$0x0], $0xffff  }
0xe9: {  	v30 =	vor.u32 $0x300, v3;
	v32 =	vor.u32 $0x300, v2;
	v23 =	vor.u32 $0x80, v4;
	v22 =	vld [tilespmem:s13+$0x10000]  }
0xea: {  	v26 =	vor.u32 $0x80, v5;
	v24 =	vmul.f32 v25, v24;
	v28 =	vld [tilespmem:s13+$0x11000];
	v17 =	vadd.s32 v0, v17  }
0xeb: {  	s18 =	sadd.s32 $0x4, s18;
	v25 =	vmul.f32 v27, v15;
	v15 =	vld [tilespmem:s7+$0x10000];
	v27 =	vadd.s32 v1, v29;
	v29 =	vand.u32 $0x7F, v17  }
0xec: {  	p3 =	slt.u32 s18, $0x7C;
	v17 =	vshll.u32 v17, $0x3;
	v33 =	vld [tilespmem:s7+$0x11000];
	v34 =	vand.u32 $0x7F, v27;
	[tilespmem:s8+$0x12000] =	vst v24;
	v24 =	vor.u32 $0x380, v6  }
0xed: {  	v6 =	vand.u32 $0xFFFFFC00, v17;
	v17 =	vshll.u32 v27, $0x3;
	v31 =	vld.idx.msk [tilespmem:v21+s5+$0x0], $0xffff;
	v21 =	vor.u32 $0x380, v7  }
0xee: {  	v6 =	vor.u32 v29, v6;
	v7 =	vand.u32 $0xFFFFFC00, v17;
	v16 =	vmul.f32 v18, v16;
	v36 =	vld.idx.msk [tilespmem:v20+s14+$0x0], $0xffff  }
0xef: {  	s7 =	sor.u32 $0x300, s10;
	v17 =	vadd.s32 v0, v22;
	v7 =	vor.u32 v34, v7;
	v18 =	vadd.s32 v1, v28;
	v28 =	vld.idx.msk [tilespmem:v19+s5+$0x0], $0xffff  }
0xf0: {  	v19 =	vshll.u32 v17, $0x3;
	v20 =	vshll.u32 v18, $0x3;
	v22 =	vadd.s32 v0, v15;
	v29 =	vld.idx.msk [tilespmem:v14+s14+$0x0], $0xffff;
	[tilespmem:s7+$0x12000] =	vst v16  }
0xf1: {  	v15 =	vand.u32 $0xFFFFFC00, v19;
	v16 =	vadd.s32 v1, v33;
	v19 =	vshll.u32 v22, $0x3;
	v14 =	vld.idx.msk [tilespmem:v24+s5+$0x0], $0xffff  }
.Ltmp4:
0xf2: {  	v24 =	vand.u32 $0xFFFFFC00, v20;
	v27 =	vand.u32 $0xFFFFFC00, v19;
	v20 =	vshll.u32 v16, $0x3;
	v19 =	vld.idx.msk [tilespmem:v21+s14+$0x0], $0xffff;
	(pc) =	sbr.rel @p3 .LBB2_6-.Ltmp4, $4  }
0xf3: {  	v17 =	vand.u32 $0x7F, v17;
	v18 =	vand.u32 $0x7F, v18;
	v33 =	vand.u32 $0xFFFFFC00, v20;
	v20 =	vld.idx.msk [tilespmem:v6+s5+$0x0], $0xffff  }
0xf4: {  	v15 =	vor.u32 v17, v15;
	v17 =	vand.u32 $0x7F, v22;
	v16 =	vand.u32 $0x7F, v16;
	v21 =	vld.idx.msk [tilespmem:v7+s14+$0x0], $0xffff  }
0xf5: {  	v18 =	vor.u32 v18, v24;
	v17 =	vor.u32 v17, v27;
	v16 =	vor.u32 v16, v33;
	v22 =	vld.idx.msk [tilespmem:v30+s5+$0x0], $0xffff  }
0xf6: {  	s23 =	sadd.s32 $0x40, s23;
	v44 =	vor.u32 $0x80, v15;
	v43 =	vor.u32 $0x80, v18;
	v42 =	vor.u32 $0x80, v17;
	v27 =	vld.idx.msk [tilespmem:v32+s14+$0x0], $0xffff  }
0xf7: {  	_ =	sdelay $0x3  }
0xf8: {  	v24 =	vor.u32 $0x80, v6;
	s0 =	sadd.s32 $0x200, s30;
	v30 =	vld.idx.msk [tilespmem:v15+s5+$0x0], $0xffff  }
0xf9: {  	v32 =	vor.u32 $0x80, v7;
	v33 =	vld.idx.msk [tilespmem:v18+s14+$0x0], $0xffff;
	s7 =	sand.u32 $0x3C00, s0  }
0xfa: {  	v34 =	vld.idx.msk [tilespmem:v16+s14+$0x0], $0xffff;
	s7 =	sadd.s32 $0x12000, s7;
	v20 =	vmul.f32 v21, v20  }
0xfb: {  	v21 =	vld.idx.msk [tilespmem:v17+s5+$0x0], $0xffff;
	s12 =	sor.u32 s15, s7  }
0xfc: {  	[tilespmem:s12+$0x0] =	vst v20  }
0xfd: {  	s4 =	sor.u32 s4, s7;
	v20 =	vld.idx.msk [tilespmem:v24+s5+$0x0], $0xffff  }
0xfe: {  	[tilespmem:s4+$0x0] =	vst v25;
	v24 =	vld.idx.msk [tilespmem:v32+s14+$0x0], $0xffff;
	v25 =	vmul.f32 v33, v30  }
0xff: {  	s13 =	sor.u32 s16, s7;
	v30 =	vor.u32 $0x80, v16;
	v23 =	vld.idx.msk [tilespmem:v23+s5+$0x0], $0xffff  }
0x100: {  	v26 =	vld.idx.msk [tilespmem:v26+s14+$0x0], $0xffff;
	[tilespmem:s13+$0x0] =	vst v25;
	v21 =	vmul.f32 v34, v21  }
0x101: {  	s8 =	sor.u32 s21, s7;
	v25 =	vld.idx.msk [tilespmem:v44+s5+$0x0], $0xffff  }
0x102: {  	v31 =	vmul.f32 v36, v31;
	v3 =	vor.u32 $0x380, v3;
	v54 =	vld.idx.msk [tilespmem:v43+s14+$0x0], $0xffff;
	[tilespmem:s8+$0x0] =	vst v21  }
0x103: {  	v53 =	vor.u32 $0x100, v6;
	v55 =	vld.idx.msk [tilespmem:v42+s5+$0x0], $0xffff  }
0x104: {  	[tilespmem:s11+$0x12000] =	vst v31;
	v22 =	vmul.f32 v27, v22;
	v21 =	vor.u32 $0x100, v7;
	v20 =	vmul.f32 v24, v20;
	v24 =	vld.idx.msk [tilespmem:v30+s14+$0x0], $0xffff  }
0x105: {  	v13 =	vld.idx.msk [tilespmem:v13+s5+$0x0], $0xffff;
	v30 =	vor.u32 $0x100, v15  }
0x106: {  	v35 =	vor.u32 $0x100, v18;
	v12 =	vld.idx.msk [tilespmem:v12+s14+$0x0], $0xffff;
	[tilespmem:s17+$0x12000] =	vst v22  }
0x107: {  	v3 =	vld.idx.msk [tilespmem:v3+s5+$0x0], $0xffff;
	[tilespmem:s12+$0x80] =	vst v20;
	v20 =	vor.u32 $0x100, v17;
	v25 =	vmul.f32 v54, v25  }
0x108: {  	v56 =	vor.u32 $0x100, v16;
	v23 =	vmul.f32 v26, v23;
	v26 =	vld.idx.msk [tilespmem:v53+s5+$0x0], $0xffff  }
0x109: {  	v31 =	vor.u32 $0x100, v4;
	v21 =	vld.idx.msk [tilespmem:v21+s14+$0x0], $0xffff;
	[tilespmem:s13+$0x80] =	vst v25;
	v24 =	vmul.f32 v24, v55  }
0x10a: {  	[tilespmem:s4+$0x80] =	vst v23;
	v23 =	vor.u32 $0x100, v5;
	v25 =	vld.idx.msk [tilespmem:v30+s5+$0x0], $0xffff  }
0x10b: {  	v2 =	vor.u32 $0x380, v2;
	v30 =	vld.idx.msk [tilespmem:v35+s14+$0x0], $0xffff;
	[tilespmem:s8+$0x80] =	vst v24  }
0x10c: {  	v24 =	vmul.f32 v29, v28;
	v28 =	vor.u32 $0x180, v6;
	v20 =	vld.idx.msk [tilespmem:v20+s5+$0x0], $0xffff  }
0x10d: {  	v29 =	vor.u32 $0x180, v7;
	v32 =	vld.idx.msk [tilespmem:v56+s14+$0x0], $0xffff  }
0x10e: {  	v57 =	vor.u32 $0x180, v15;
	v31 =	vld.idx.msk [tilespmem:v31+s5+$0x0], $0xffff;
	v21 =	vmul.f32 v21, v26  }
0x10f: {  	v23 =	vld.idx.msk [tilespmem:v23+s14+$0x0], $0xffff;
	[tilespmem:s2+$0x12000] =	vst v24;
	v24 =	vor.u32 $0x180, v18  }
0x110: {  	v2 =	vld.idx.msk [tilespmem:v2+s14+$0x0], $0xffff;
	v26 =	vor.u32 $0x180, v17;
	[tilespmem:s12+$0x100] =	vst v21;
	v21 =	vmul.f32 v30, v25  }
0x111: {  	v25 =	vor.u32 $0x180, v16;
	v28 =	vld.idx.msk [tilespmem:v28+s5+$0x0], $0xffff  }
0x112: {  	v30 =	vor.u32 $0x180, v4;
	v29 =	vld.idx.msk [tilespmem:v29+s14+$0x0], $0xffff;
	[tilespmem:s13+$0x100] =	vst v21;
	v20 =	vmul.f32 v32, v20  }
0x113: {  	v21 =	vor.u32 $0x180, v5;
	v58 =	vld.idx.msk [tilespmem:v57+s5+$0x0], $0xffff  }
0x114: {  	v23 =	vmul.f32 v23, v31;
	v24 =	vld.idx.msk [tilespmem:v24+s14+$0x0], $0xffff;
	[tilespmem:s8+$0x100] =	vst v20  }
0x115: {  	v20 =	vor.u32 $0x200, v6;
	v26 =	vld.idx.msk [tilespmem:v26+s5+$0x0], $0xffff  }
0x116: {  	v12 =	vmul.f32 v12, v13;
	v13 =	vor.u32 $0x200, v7;
	[tilespmem:s4+$0x100] =	vst v23;
	v23 =	vld.idx.msk [tilespmem:v25+s14+$0x0], $0xffff  }
0x117: {  	v25 =	vor.u32 $0x200, v15;
	v30 =	vld.idx.msk [tilespmem:v30+s5+$0x0], $0xffff;
	v28 =	vmul.f32 v29, v28  }
0x118: {  	[tilespmem:s3+$0x12000] =	vst v12;
	v29 =	vor.u32 $0x200, v18;
	v12 =	vld.idx.msk [tilespmem:v21+s14+$0x0], $0xffff  }
0x119: {  	v9 =	vld.idx.msk [tilespmem:v9+s5+$0x0], $0xffff;
	v21 =	vor.u32 $0x200, v17;
	[tilespmem:s12+$0x180] =	vst v28;
	v24 =	vmul.f32 v24, v58  }
0x11a: {  	v28 =	vor.u32 $0x200, v16;
	v20 =	vld.idx.msk [tilespmem:v20+s5+$0x0], $0xffff  }
0x11b: {  	v31 =	vor.u32 $0x200, v4;
	v13 =	vld.idx.msk [tilespmem:v13+s14+$0x0], $0xffff;
	[tilespmem:s13+$0x180] =	vst v24;
	v23 =	vmul.f32 v23, v26  }
0x11c: {  	p2 =	por !p2, !p2;
	s2 =	simm.s32 $0x1;
	v24 =	vor.u32 $0x200, v5;
	v25 =	vld.idx.msk [tilespmem:v25+s5+$0x0], $0xffff  }
0x11d: {  	s2 =	simm.s32 @!p2 $0x0;
	v26 =	vld.idx.msk [tilespmem:v29+s14+$0x0], $0xffff;
	v12 =	vmul.f32 v12, v30;
	[tilespmem:s8+$0x180] =	vst v23  }
0x11e: {  	s2 =	sshll.u32 s2, $0x6;
	v23 =	vor.u32 $0x280, v6;
	v21 =	vld.idx.msk [tilespmem:v21+s5+$0x0], $0xffff  }
0x11f: {  	s0 =	sadd.s32 s2, s0;
	v28 =	vld.idx.msk [tilespmem:v28+s14+$0x0], $0xffff;
	[tilespmem:s4+$0x180] =	vst v12;
	v12 =	vor.u32 $0x280, v7  }
0x120: {  	s2 =	sadd.s32 $0x30, s0;
	v29 =	vor.u32 $0x280, v15;
	v13 =	vmul.f32 v13, v20;
	v30 =	vld.idx.msk [tilespmem:v31+s5+$0x0], $0xffff  }
0x121: {  	s11 =	sor.u32 $0x200, s2;
	v20 =	vor.u32 $0x280, v18;
	v24 =	vld.idx.msk [tilespmem:v24+s14+$0x0], $0xffff  }
0x122: {  	v8 =	vld.idx.msk [tilespmem:v8+s14+$0x0], $0xffff;
	s12 =	sadd.s32 $0x10, s0;
	v31 =	vor.u32 $0x280, v17;
	[tilespmem:s11+$0x12000] =	vst v13;
	v13 =	vmul.f32 v26, v25  }
0x123: {  	s13 =	sor.u32 $0x200, s12;
	v25 =	vor.u32 $0x280, v16;
	v23 =	vld.idx.msk [tilespmem:v23+s5+$0x0], $0xffff  }
0x124: {  	s15 =	sadd.s32 $0x20, s0;
	v26 =	vor.u32 $0x280, v4;
	[tilespmem:s13+$0x12000] =	vst v13;
	v13 =	vmul.f32 v28, v21;
	v12 =	vld.idx.msk [tilespmem:v12+s14+$0x0], $0xffff  }
0x125: {  	s16 =	sor.u32 $0x200, s15;
	v21 =	vor.u32 $0x280, v5;
	v28 =	vld.idx.msk [tilespmem:v29+s5+$0x0], $0xffff  }
0x126: {  	v20 =	vld.idx.msk [tilespmem:v20+s14+$0x0], $0xffff;
	v24 =	vmul.f32 v24, v30;
	[tilespmem:s16+$0x12000] =	vst v13  }
0x127: {  	s18 =	sor.u32 $0x200, s0;
	v13 =	vor.u32 $0x300, v6;
	v29 =	vld.idx.msk [tilespmem:v31+s5+$0x0], $0xffff  }
0x128: {  	v25 =	vld.idx.msk [tilespmem:v25+s14+$0x0], $0xffff;
	[tilespmem:s18+$0x12000] =	vst v24;
	v24 =	vor.u32 $0x300, v7  }
0x129: {  	v27 =	vor.u32 $0x300, v15;
	v26 =	vld.idx.msk [tilespmem:v26+s5+$0x0], $0xffff;
	v12 =	vmul.f32 v12, v23  }
0x12a: {  	s19 =	sor.u32 $0x280, s2;
	v21 =	vld.idx.msk [tilespmem:v21+s14+$0x0], $0xffff;
	v23 =	vor.u32 $0x300, v18  }
0x12b: {  	v22 =	vor.u32 $0x300, v17;
	v11 =	vld.idx.msk [tilespmem:v11+s5+$0x0], $0xffff;
	[tilespmem:s19+$0x12000] =	vst v12;
	v12 =	vmul.f32 v20, v28  }
0x12c: {  	s20 =	sor.u32 $0x280, s12;
	v20 =	vor.u32 $0x300, v16;
	v13 =	vld.idx.msk [tilespmem:v13+s5+$0x0], $0xffff  }
0x12d: {  	v28 =	vor.u32 $0x300, v4;
	v24 =	vld.idx.msk [tilespmem:v24+s14+$0x0], $0xffff;
	[tilespmem:s20+$0x12000] =	vst v12;
	v12 =	vmul.f32 v25, v29  }
0x12e: {  	s21 =	sor.u32 $0x280, s15;
	v25 =	vor.u32 $0x300, v5;
	v27 =	vld.idx.msk [tilespmem:v27+s5+$0x0], $0xffff  }
0x12f: {  	v21 =	vmul.f32 v21, v26;
	v23 =	vld.idx.msk [tilespmem:v23+s14+$0x0], $0xffff;
	[tilespmem:s21+$0x12000] =	vst v12  }
0x130: {  	s22 =	sor.u32 $0x280, s0;
	v6 =	vor.u32 $0x380, v6;
	v12 =	vld.idx.msk [tilespmem:v22+s5+$0x0], $0xffff  }
0x131: {  	v7 =	vor.u32 $0x380, v7;
	[tilespmem:s22+$0x12000] =	vst v21;
	v20 =	vld.idx.msk [tilespmem:v20+s14+$0x0], $0xffff  }
0x132: {  	v15 =	vor.u32 $0x380, v15;
	v21 =	vld.idx.msk [tilespmem:v28+s5+$0x0], $0xffff;
	v13 =	vmul.f32 v24, v13  }
0x133: {  	s23 =	sor.u32 $0x300, s2;
	v18 =	vor.u32 $0x380, v18;
	v22 =	vld.idx.msk [tilespmem:v25+s14+$0x0], $0xffff  }
0x134: {  	v10 =	vld.idx.msk [tilespmem:v10+s14+$0x0], $0xffff;
	v17 =	vor.u32 $0x380, v17;
	[tilespmem:s23+$0x12000] =	vst v13;
	v13 =	vmul.f32 v23, v27  }
0x135: {  	s24 =	sor.u32 $0x300, s12;
	v16 =	vor.u32 $0x380, v16;
	v6 =	vld.idx.msk [tilespmem:v6+s5+$0x0], $0xffff  }
0x136: {  	v4 =	vor.u32 $0x380, v4;
	v7 =	vld.idx.msk [tilespmem:v7+s14+$0x0], $0xffff;
	[tilespmem:s24+$0x12000] =	vst v13;
	v12 =	vmul.f32 v20, v12  }
0x137: {  	s30 =	sor.u32 $0x300, s15;
	v5 =	vor.u32 $0x380, v5;
	v13 =	vld.idx.msk [tilespmem:v15+s5+$0x0], $0xffff  }
0x138: {  	v15 =	vmul.f32 v22, v21;
	[tilespmem:s30+$0x12000] =	vst v12;
	v12 =	vld.idx.msk [tilespmem:v18+s14+$0x0], $0xffff  }
0x139: {  	s6 =	sor.u32 $0x300, s0;
	v17 =	vld.idx.msk [tilespmem:v17+s5+$0x0], $0xffff  }
0x13a: {  	v2 =	vmul.f32 v2, v3;
	[tilespmem:s6+$0x12000] =	vst v15;
	v15 =	vld.idx.msk [tilespmem:v16+s14+$0x0], $0xffff  }
0x13b: {  	v8 =	vmul.f32 v8, v9;
	v4 =	vld.idx.msk [tilespmem:v4+s5+$0x0], $0xffff  }
0x13c: {  	[tilespmem:s31+$0x12000] =	vst v2;
	v10 =	vmul.f32 v10, v11;
	v5 =	vld.idx.msk [tilespmem:v5+s14+$0x0], $0xffff  }
0x13d: {  	v14 =	vmul.f32 v19, v14;
	[tilespmem:s1+$0x12000] =	vst v8  }
0x13e: {  	[tilespmem:s9+$0x12000] =	vst v10;
	s8 =	sor.u32 $0x380, s10;
	v3 =	vmul.f32 v7, v6  }
0x13f: {  	s9 =	sor.u32 $0x380, s2;
	s10 =	sand.u32 $0x1FFFE, s29;
	[tilespmem:s8+$0x12000] =	vst v14;
	v2 =	vmul.f32 v12, v13  }
0x140: {  	s3 =	sor.u32 $0x380, s12;
	s11 =	sadd.s32 s10, s28;
	[tilespmem:s9+$0x12000] =	vst v3;
	v3 =	vmul.f32 v15, v17  }
0x141: {  	s12 =	sor.u32 $0x380, s15;
	s1 =	sshll.u32 s11, $0xC;
	[tilespmem:s3+$0x12000] =	vst v2;
	v2 =	vmul.f32 v5, v4  }
0x142: {  	s0 =	sor.u32 $0x380, s0;
	s1 =	sand.u32 $0x1FFFF000, s1;
	s13 =	rddreg [dreg:$0x2];
	[tilespmem:s12+$0x12000] =	vst v3  }
0x143: {  	s15 =	simm.s32 $0x12000;
	[tilespmem:s0+$0x12000] =	vst v2;
	s0 =	sadd.s32 s13, s1  }
0x144: {  	[hbm4b:s0+s5] =	stream.linear.scatter [tilespmem:s15], [sflag:$0x4], $0x4000, $0x38;
	[tilespmem:$0x1A000] =	vst v63  }
0x145: {  	[dreg:$0xc] =	wrdreg s1;
	s0 =	simm.s32 @!p1 $0x4  }
0x146: {  	_ =	swait.ge @!p1 [sflag:s0], $0x4000  }
0x147: {  	[sflag:s0] =	ssyncset.done @!p1 $0x0  }
0x148: {  	s16 =	simm.s32 $0x10830;
	[sflag:s0] =	ssyncadd.s32 @!p1 $0xFFFFC000  }
0x149: {  	s17 =	simm.s32 $0x11830;
	v2 =	vld [tilespmem:s16+$0x0]  }
0x14a: {  	v3 =	vld [tilespmem:s17+$0x0];
	_ =	sdelay $0x3  }
0x14b: {  	v2 =	vadd.s32 v0, v2  }
0x14c: {  	v3 =	vadd.s32 v1, v3;
	v4 =	vshll.u32 v2, $0x3  }
0x14d: {  	v2 =	vand.u32 $0x7F, v2;
	v5 =	vshll.u32 v3, $0x3;
	v4 =	vand.u32 $0xFFFFFC00, v4  }
0x14e: {  	v7 =	vld [tilespmem:s16+$0xFFFFFFD0];
	v3 =	vand.u32 $0x7F, v3;
	v6 =	vor.u32 v2, v4;
	v2 =	vand.u32 $0xFFFFFC00, v5  }
0x14f: {  	v4 =	vld [tilespmem:s17+$0xFFFFFFD0];
	v8 =	vor.u32 v3, v2  }
0x150: {  	v5 =	vld [tilespmem:s16+$0xFFFFFFF0]  }
0x151: {  	v2 =	vld [tilespmem:s16+$0xFFFFFFE0]  }
0x152: {  	v3 =	vld [tilespmem:s17+$0xFFFFFFE0]  }
0x153: {  	v7 =	vadd.s32 v0, v7;
	v9 =	vld.idx.msk [tilespmem:v6+s5+$0x0], $0xffff  }
0x154: {  	v11 =	vshll.u32 v7, $0x3;
	v10 =	vld.idx.msk [tilespmem:v8+s14+$0x0], $0xffff  }
0x155: {  	v11 =	vand.u32 $0xFFFFFC00, v11;
	v16 =	vor.u32 $0x80, v6;
	v18 =	vor.u32 $0x80, v8  }
0x156: {  	v4 =	vadd.s32 v1, v4;
	v17 =	vadd.s32 v0, v5;
	v5 =	vand.u32 $0x7F, v7  }
0x157: {  	s18 =	simm.s32 $0x0;
	v14 =	vld [tilespmem:s17+$0xFFFFFFF0];
	v12 =	vshll.u32 v4, $0x3;
	v2 =	vadd.s32 v0, v2;
	v3 =	vadd.s32 v1, v3  }
0x158: {  	s19 =	sand.u32 $0x40, s18;
	s0 =	sand.u32 $0x3C00, s18;
	v4 =	vand.u32 $0x7F, v4;
	v5 =	vor.u32 v5, v11;
	v13 =	vshll.u32 v2, $0x3  }
0x159: {  	s1 =	sor.u32 s19, s0;
	v12 =	vand.u32 $0xFFFFFC00, v12;
	v15 =	vshll.u32 v3, $0x3;
	v9 =	vmul.f32 v10, v9  }
0x15a: {  	s0 =	sadd.s32 $0x16000, s1;
	v2 =	vand.u32 $0x7F, v2;
	v7 =	vor.u32 v4, v12;
	v10 =	vand.u32 $0xFFFFFC00, v13  }
0x15b: {  	v3 =	vand.u32 $0x7F, v3;
	v11 =	vand.u32 $0xFFFFFC00, v15;
	v4 =	vor.u32 v2, v10;
	[tilespmem:s0+$0x30] =	vst v9  }
0x15c: {  	v2 =	vadd.s32 v1, v14;
	v10 =	vshll.u32 v17, $0x3;
	v9 =	vor.u32 v3, v11;
	v3 =	vld.idx.msk [tilespmem:v16+s5+$0x0], $0xffff  }
0x15d: {  	v12 =	vand.u32 $0x7F, v17;
	v10 =	vand.u32 $0xFFFFFC00, v10;
	v11 =	vshll.u32 v2, $0x3;
	v13 =	vld.idx.msk [tilespmem:v18+s14+$0x0], $0xffff  }
0x15e: {  	v2 =	vand.u32 $0x7F, v2;
	v14 =	vand.u32 $0xFFFFFC00, v11;
	v11 =	vor.u32 v12, v10;
	v12 =	vld.idx.msk [tilespmem:v5+s5+$0x0], $0xffff  }
0x15f: {  	v10 =	vor.u32 v2, v14;
	v2 =	vld.idx.msk [tilespmem:v7+s14+$0x0], $0xffff  }
0x160: {  	v15 =	vor.u32 $0x100, v6;
	v14 =	vld.idx.msk [tilespmem:v4+s5+$0x0], $0xffff  }
0x161: {  	v17 =	vor.u32 $0x100, v8;
	v16 =	vld.idx.msk [tilespmem:v9+s14+$0x0], $0xffff  }
0x162: {  	v18 =	vor.u32 $0x80, v5;
	v3 =	vmul.f32 v13, v3  }
0x163: {  	v13 =	vor.u32 $0x80, v7;
	v19 =	vld.idx.msk [tilespmem:v11+s5+$0x0], $0xffff  }
0x164: {  	v20 =	vor.u32 $0x80, v4;
	v21 =	vld.idx.msk [tilespmem:v10+s14+$0x0], $0xffff;
	v2 =	vmul.f32 v2, v12;
	[tilespmem:s0+$0xB0] =	vst v3  }
0x165: {  	v3 =	vor.u32 $0x80, v9;
	v12 =	vld.idx.msk [tilespmem:v15+s5+$0x0], $0xffff  }
0x166: {  	[tilespmem:s1+$0x16000] =	vst v2;
	v2 =	vmul.f32 v16, v14;
	v14 =	vld.idx.msk [tilespmem:v17+s14+$0x0], $0xffff  }
0x167: {  	v15 =	vor.u32 $0x80, v11;
	v16 =	vld.idx.msk [tilespmem:v18+s5+$0x0], $0xffff  }
0x168: {  	v17 =	vor.u32 $0x80, v10;
	[tilespmem:s0+$0x10] =	vst v2;
	v2 =	vld.idx.msk [tilespmem:v13+s14+$0x0], $0xffff  }
0x169: {  	v13 =	vmul.f32 v21, v19;
	v19 =	vor.u32 $0x180, v6;
	v18 =	vld.idx.msk [tilespmem:v20+s5+$0x0], $0xffff  }
0x16a: {  	s31 =	simm.s32 $0x11870;
	v3 =	vld.idx.msk [tilespmem:v3+s14+$0x0], $0xffff;
	v20 =	vor.u32 $0x180, v8  }
0x16b: {  	v22 =	vld [tilespmem:s31+$0x0];
	v21 =	vor.u32 $0x100, v5;
	[tilespmem:s0+$0x20] =	vst v13;
	v12 =	vmul.f32 v14, v12  }
0x16c: {  	v13 =	vor.u32 $0x100, v7;
	v14 =	vld.idx.msk [tilespmem:v15+s5+$0x0], $0xffff  }
0x16d: {  	v15 =	vor.u32 $0x100, v4;
	v17 =	vld.idx.msk [tilespmem:v17+s14+$0x0], $0xffff;
	v2 =	vmul.f32 v2, v16;
	[tilespmem:s0+$0x130] =	vst v12  }
0x16e: {  	v12 =	vor.u32 $0x100, v9;
	v16 =	vld.idx.msk [tilespmem:v19+s5+$0x0], $0xffff  }
0x16f: {  	[tilespmem:s0+$0x80] =	vst v2;
	v2 =	vmul.f32 v3, v18;
	v3 =	vld.idx.msk [tilespmem:v20+s14+$0x0], $0xffff  }
0x170: {  	v18 =	vor.u32 $0x100, v11;
	v19 =	vld.idx.msk [tilespmem:v21+s5+$0x0], $0xffff  }
0x171: {  	v20 =	vor.u32 $0x100, v10;
	v13 =	vld.idx.msk [tilespmem:v13+s14+$0x0], $0xffff;
	[tilespmem:s0+$0x90] =	vst v2  }
0x172: {  	v2 =	vmul.f32 v17, v14;
	v14 =	vld.idx.msk [tilespmem:v15+s5+$0x0], $0xffff;
	v15 =	vor.u32 $0x200, v6  }
0x173: {  	s21 =	simm.s32 $0x10870;
	v17 =	vor.u32 $0x200, v8;
	v12 =	vld.idx.msk [tilespmem:v12+s14+$0x0], $0xffff  }
0x174: {  	v24 =	vld [tilespmem:s21+$0xFFFFFFE0];
	v21 =	vor.u32 $0x180, v5;
	[tilespmem:s0+$0xA0] =	vst v2;
	v2 =	vmul.f32 v3, v16  }
0x175: {  	v3 =	vor.u32 $0x180, v7;
	v16 =	vld.idx.msk [tilespmem:v18+s5+$0x0], $0xffff  }
0x176: {  	v18 =	vor.u32 $0x180, v4;
	v20 =	vld.idx.msk [tilespmem:v20+s14+$0x0], $0xffff;
	v13 =	vmul.f32 v13, v19;
	[tilespmem:s0+$0x1B0] =	vst v2  }
0x177: {  	v2 =	vor.u32 $0x180, v9;
	v15 =	vld.idx.msk [tilespmem:v15+s5+$0x0], $0xffff  }
0x178: {  	[tilespmem:s0+$0x100] =	vst v13;
	v12 =	vmul.f32 v12, v14;
	v13 =	vld.idx.msk [tilespmem:v17+s14+$0x0], $0xffff  }
0x179: {  	p1 =	por $0x0, $0x0;
	s1 =	simm.s32 $0x1;
	v14 =	vor.u32 $0x180, v11;
	v17 =	vld.idx.msk [tilespmem:v21+s5+$0x0], $0xffff  }
0x17a: {  	s1 =	simm.s32 @!p1 $0x0;
	v19 =	vor.u32 $0x180, v10;
	v3 =	vld.idx.msk [tilespmem:v3+s14+$0x0], $0xffff;
	[tilespmem:s0+$0x110] =	vst v12  }
0x17b: {  	s1 =	sshll.u32 s1, $0x6;
	v12 =	vmul.f32 v20, v16;
	v16 =	vld.idx.msk [tilespmem:v18+s5+$0x0], $0xffff;
	v18 =	vor.u32 $0x280, v6  }
0x17c: {  	s3 =	sadd.s32 $0x0, s1;
	v20 =	vor.u32 $0x280, v8;
	v2 =	vld.idx.msk [tilespmem:v2+s14+$0x0], $0xffff  }
0x17d: {  	v27 =	vld [tilespmem:s31+$0xFFFFFFE0];
	s4 =	sadd.s32 $0x30, s3;
	[tilespmem:s0+$0x120] =	vst v12;
	v12 =	vmul.f32 v13, v15  }
0x17e: {  	s20 =	sor.u32 $0x200, s4;
	v21 =	vor.u32 $0x200, v5;
	v14 =	vld.idx.msk [tilespmem:v14+s5+$0x0], $0xffff  }
0x17f: {  	v13 =	vor.u32 $0x200, v7;
	v19 =	vld.idx.msk [tilespmem:v19+s14+$0x0], $0xffff;
	v3 =	vmul.f32 v3, v17;
	[tilespmem:s20+$0x16000] =	vst v12  }
0x180: {  	v15 =	vor.u32 $0x200, v4;
	v12 =	vld.idx.msk [tilespmem:v18+s5+$0x0], $0xffff  }
0x181: {  	[tilespmem:s0+$0x180] =	vst v3;
	v2 =	vmul.f32 v2, v16;
	v3 =	vld.idx.msk [tilespmem:v20+s14+$0x0], $0xffff;
	v16 =	vor.u32 $0x200, v9  }
0x182: {  	v18 =	vor.u32 $0x200, v11;
	v20 =	vld [tilespmem:s21+$0x0]  }
0x183: {  	v17 =	vld.idx.msk [tilespmem:v21+s5+$0x0], $0xffff;
	[tilespmem:s0+$0x190] =	vst v2;
	v2 =	vor.u32 $0x200, v10  }
0x184: {  	v13 =	vld.idx.msk [tilespmem:v13+s14+$0x0], $0xffff;
	v14 =	vmul.f32 v19, v14;
	v19 =	vor.u32 $0x300, v6  }
0x185: {  	v21 =	vor.u32 $0x300, v8;
	v15 =	vld.idx.msk [tilespmem:v15+s5+$0x0], $0xffff  }
0x186: {  	[tilespmem:s0+$0x1A0] =	vst v14;
	v16 =	vld.idx.msk [tilespmem:v16+s14+$0x0], $0xffff;
	v3 =	vmul.f32 v3, v12  }
0x187: {  	s22 =	sor.u32 $0x280, s4;
	v12 =	vld.idx.msk [tilespmem:v18+s5+$0x0], $0xffff  }
0x188: {  	v14 =	vld.idx.msk [tilespmem:v2+s14+$0x0], $0xffff;
	[tilespmem:s22+$0x16000] =	vst v3;
	v2 =	vadd.s32 v0, v20  }
0x189: {  	v3 =	vadd.s32 v1, v22;
	v18 =	vld.idx.msk [tilespmem:v19+s5+$0x0], $0xffff;
	v20 =	vshll.u32 v2, $0x3  }
0x18a: {  	v19 =	vld.idx.msk [tilespmem:v21+s14+$0x0], $0xffff;
	v2 =	vand.u32 $0x7F, v2;
	v22 =	vshll.u32 v3, $0x3;
	v20 =	vand.u32 $0xFFFFFC00, v20  }
0x18b: {  	v21 =	vld [tilespmem:s21+$0xFFFFFFD0];
	v3 =	vand.u32 $0x7F, v3;
	v2 =	vor.u32 v2, v20;
	v20 =	vand.u32 $0xFFFFFC00, v22  }
0x18c: {  	v23 =	vld [tilespmem:s31+$0xFFFFFFD0];
	v27 =	vadd.s32 v1, v27;
	v3 =	vor.u32 v3, v20  }
0x18d: {  	v24 =	vadd.s32 v0, v24;
	v31 =	vshll.u32 v27, $0x3;
	v22 =	vor.u32 $0x280, v5  }
0x18e: {  	v25 =	vor.u32 $0x280, v4;
	v26 =	vor.u32 $0x280, v9;
	v15 =	vmul.f32 v16, v15;
	v16 =	vld [tilespmem:s21+$0xFFFFFFF0]  }
0x18f: {  	v28 =	vor.u32 $0x280, v11;
	v13 =	vmul.f32 v13, v17;
	v17 =	vld [tilespmem:s31+$0xFFFFFFF0];
	v20 =	vor.u32 $0x280, v7  }
0x190: {  	s23 =	sor.u32 $0x200, s3;
	s30 =	sadd.s32 $0x10, s3;
	v14 =	vmul.f32 v14, v12;
	v12 =	vmul.f32 v19, v18;
	v18 =	vadd.s32 v0, v21;
	v21 =	vld.idx.msk [tilespmem:v2+s5+$0x0], $0xffff  }
0x191: {  	s11 =	sadd.s32 $0x20, s3;
	s10 =	sor.u32 $0x200, s30;
	v6 =	vor.u32 $0x380, v6;
	v8 =	vor.u32 $0x380, v8;
	[tilespmem:s23+$0x16000] =	vst v13;
	v19 =	vadd.s32 v1, v23;
	v29 =	vld.idx.msk [tilespmem:v3+s14+$0x0], $0xffff  }
0x192: {  	s20 =	sor.u32 $0x200, s11;
	v61 =	vor.u32 $0x80, v2;
	[tilespmem:s10+$0x16000] =	vst v15;
	v13 =	vshll.u32 v18, $0x3;
	v23 =	vshll.u32 v19, $0x3;
	v22 =	vld.idx.msk [tilespmem:v22+s5+$0x0], $0xffff  }
0x193: {  	v15 =	vand.u32 $0x7F, v18;
	[tilespmem:s20+$0x16000] =	vst v14;
	v59 =	vadd.s32 v0, v16;
	v16 =	vand.u32 $0x7F, v19;
	v19 =	vld.idx.msk [tilespmem:v25+s5+$0x0], $0xffff  }
0x194: {  	s1 =	simm.s32 $0x40;
	s24 =	sor.u32 $0x300, s4;
	s0 =	simm.s32 $0x200;
	v18 =	vand.u32 $0x7F, v24;
	v30 =	vand.u32 $0xFFFFFC00, v13;
	v13 =	vshll.u32 v24, $0x3;
	v24 =	vld.idx.msk [tilespmem:v28+s5+$0x0], $0xffff  }
0x195: {  	s18 =	sand.u32 $0x40, s1;
	s19 =	sand.u32 $0x3C00, s0;
	v60 =	vadd.s32 v1, v17;
	v62 =	vor.u32 $0x80, v3;
	[tilespmem:s24+$0x16000] =	vst v12;
	v23 =	vand.u32 $0xFFFFFC00, v23;
	v20 =	vld.idx.msk [tilespmem:v20+s14+$0x0], $0xffff  }
0x196: {  	s2 =	sor.u32 s18, s19;
	v14 =	vand.u32 $0xFFFFFC00, v31;
	v12 =	vld.idx.msk [tilespmem:v6+s5+$0x0], $0xffff;
	v16 =	vor.u32 v16, v23;
	v17 =	vmul.f32 v29, v21  }
0x197: {  	s21 =	sadd.s32 $0x16000, s2;
	v6 =	vand.u32 $0xFFFFFC00, v13;
	v13 =	vld.idx.msk [tilespmem:v8+s14+$0x0], $0xffff;
	v8 =	vshll.u32 v59, $0x3;
	v15 =	vor.u32 v15, v30  }
0x198: {  	v23 =	vand.u32 $0x7F, v27;
	v25 =	vand.u32 $0x7F, v59;
	v18 =	vor.u32 v18, v6;
	v21 =	vld.idx.msk [tilespmem:v26+s14+$0x0], $0xffff;
	[tilespmem:s21+$0x30] =	vst v17  }
0x199: {  	v8 =	vand.u32 $0xFFFFFC00, v8;
	v6 =	vshll.u32 v60, $0x3;
	v17 =	vor.u32 v23, v14;
	v14 =	vld.idx.msk [tilespmem:v61+s5+$0x0], $0xffff  }
0x19a: {  	v6 =	vand.u32 $0xFFFFFC00, v6;
	v28 =	vor.u32 v25, v8;
	v23 =	vand.u32 $0x7F, v60;
	v8 =	vld.idx.msk [tilespmem:v62+s14+$0x0], $0xffff  }
0x19b: {  	v25 =	vld.idx.msk [tilespmem:v16+s14+$0x0], $0xffff;
	v29 =	vor.u32 v23, v6  }
0x19c: {  	v6 =	vld.idx.msk [tilespmem:v15+s5+$0x0], $0xffff;
	v23 =	vor.u32 $0x280, v10  }
0x19d: {  	v27 =	vor.u32 $0x100, v2;
	v26 =	vld.idx.msk [tilespmem:v18+s5+$0x0], $0xffff  }
0x19e: {  	v31 =	vor.u32 $0x100, v3;
	v30 =	vld.idx.msk [tilespmem:v17+s14+$0x0], $0xffff  }
0x19f: {  	v63 =	vor.u32 $0x80, v15;
	v36 =	vld.idx.msk [tilespmem:v28+s5+$0x0], $0xffff;
	v8 =	vmul.f32 v8, v14  }
0x1a0: {  	v14 =	vor.u32 $0x80, v16;
	v37 =	vld.idx.msk [tilespmem:v29+s14+$0x0], $0xffff  }
0x1a1: {  	v46 =	vor.u32 $0x300, v4;
	v23 =	vld.idx.msk [tilespmem:v23+s14+$0x0], $0xffff;
	v6 =	vmul.f32 v25, v6;
	[tilespmem:s21+$0xB0] =	vst v8  }
0x1a2: {  	v19 =	vmul.f32 v21, v19;
	v8 =	vor.u32 $0x80, v17;
	v25 =	vld.idx.msk [tilespmem:v27+s5+$0x0], $0xffff  }
0x1a3: {  	s13 =	sor.u32 $0x280, s30;
	v38 =	vor.u32 $0x80, v18;
	[tilespmem:s2+$0x16000] =	vst v6;
	v6 =	vmul.f32 v30, v26;
	v26 =	vld.idx.msk [tilespmem:v31+s14+$0x0], $0xffff  }
0x1a4: {  	[tilespmem:s13+$0x16000] =	vst v19;
	v27 =	vor.u32 $0x80, v28;
	v31 =	vld.idx.msk [tilespmem:v63+s5+$0x0], $0xffff  }
0x1a5: {  	v30 =	vor.u32 $0x80, v29;
	v14 =	vld.idx.msk [tilespmem:v14+s14+$0x0], $0xffff;
	[tilespmem:s21+$0x10] =	vst v6;
	v6 =	vmul.f32 v37, v36  }
0x1a6: {  	v39 =	vor.u32 $0x300, v5;
	v35 =	vld.idx.msk [tilespmem:v46+s5+$0x0], $0xffff  }
0x1a7: {  	[tilespmem:s21+$0x20] =	vst v6;
	v6 =	vld.idx.msk [tilespmem:v8+s14+$0x0], $0xffff;
	v8 =	vor.u32 $0x180, v2  }
0x1a8: {  	v42 =	vor.u32 $0x100, v15;
	v20 =	vmul.f32 v20, v22;
	v41 =	vld.idx.msk [tilespmem:v38+s5+$0x0], $0xffff  }
0x1a9: {  	s12 =	sor.u32 $0x280, s3;
	v22 =	vld.idx.msk [tilespmem:v27+s5+$0x0], $0xffff;
	v27 =	vor.u32 $0x180, v3;
	v25 =	vmul.f32 v26, v25  }
0x1aa: {  	[tilespmem:s12+$0x16000] =	vst v20;
	v20 =	vld.idx.msk [tilespmem:v30+s14+$0x0], $0xffff;
	v26 =	vor.u32 $0x100, v16;
	v14 =	vmul.f32 v14, v31  }
0x1ab: {  	v43 =	vor.u32 $0x100, v18;
	v30 =	vld.idx.msk [tilespmem:v39+s5+$0x0], $0xffff;
	[tilespmem:s21+$0x130] =	vst v25  }
0x1ac: {  	v31 =	vor.u32 $0x100, v17;
	[tilespmem:s21+$0x80] =	vst v14;
	v8 =	vld.idx.msk [tilespmem:v8+s5+$0x0], $0xffff  }
0x1ad: {  	v40 =	vor.u32 $0x300, v7;
	v6 =	vmul.f32 v6, v41;
	v45 =	vld.idx.msk [tilespmem:v42+s5+$0x0], $0xffff  }
0x1ae: {  	v44 =	vor.u32 $0x100, v28;
	v14 =	vld.idx.msk [tilespmem:v27+s14+$0x0], $0xffff  }
0x1af: {  	v27 =	vor.u32 $0x100, v29;
	v26 =	vld.idx.msk [tilespmem:v26+s14+$0x0], $0xffff;
	[tilespmem:s21+$0x90] =	vst v6;
	v6 =	vmul.f32 v20, v22  }
0x1b0: {  	v20 =	vor.u32 $0x300, v9;
	v22 =	vld.idx.msk [tilespmem:v43+s5+$0x0], $0xffff  }
0x1b1: {  	v21 =	vld.idx.msk [tilespmem:v31+s14+$0x0], $0xffff;
	[tilespmem:s21+$0xA0] =	vst v6;
	v6 =	vor.u32 $0x200, v2  }
0x1b2: {  	v47 =	vor.u32 $0x200, v3;
	v25 =	vld.idx.msk [tilespmem:v40+s14+$0x0], $0xffff  }
0x1b3: {  	v48 =	vor.u32 $0x180, v15;
	v31 =	vld.idx.msk [tilespmem:v44+s5+$0x0], $0xffff;
	v8 =	vmul.f32 v14, v8  }
0x1b4: {  	v19 =	vld.idx.msk [tilespmem:v27+s14+$0x0], $0xffff;
	v14 =	vor.u32 $0x180, v16  }
0x1b5: {  	v26 =	vmul.f32 v26, v45;
	v49 =	vld.idx.msk [tilespmem:v20+s14+$0x0], $0xffff;
	[tilespmem:s21+$0x1B0] =	vst v8  }
0x1b6: {  	v27 =	vor.u32 $0x180, v18;
	v21 =	vmul.f32 v21, v22;
	v50 =	vld.idx.msk [tilespmem:v6+s5+$0x0], $0xffff  }
0x1b7: {  	v20 =	vor.u32 $0x180, v17;
	[tilespmem:s21+$0x100] =	vst v26;
	v22 =	vld.idx.msk [tilespmem:v47+s14+$0x0], $0xffff  }
0x1b8: {  	v57 =	vor.u32 $0x380, v4;
	v4 =	vor.u32 $0x380, v9;
	v37 =	vor.u32 $0x180, v28;
	v33 =	vld.idx.msk [tilespmem:v48+s5+$0x0], $0xffff;
	[tilespmem:s21+$0x110] =	vst v21  }
0x1b9: {  	v51 =	vor.u32 $0x180, v29;
	v14 =	vld.idx.msk [tilespmem:v14+s14+$0x0], $0xffff;
	[tilespmem:$0x1FFB0] =	vst v4;
	v4 =	vor.u32 $0x380, v11  }
0x1ba: {  	p1 =	por !p1, !p1;
	s2 =	simm.s32 $0x1;
	v26 =	vor.u32 $0x300, v11;
	v19 =	vmul.f32 v19, v31;
	[tilespmem:$0x1FFC0] =	vst v4;
	v4 =	vor.u32 $0x380, v10  }
0x1bb: {  	s2 =	simm.s32 @!p1 $0x0;
	v38 =	vor.u32 $0x300, v10;
	v11 =	vld.idx.msk [tilespmem:v27+s5+$0x0], $0xffff;
	[tilespmem:$0x1FFD0] =	vst v4  }
0x1bc: {  	s2 =	sshll.u32 s2, $0x6;
	v10 =	vmul.f32 v23, v24;
	v23 =	vor.u32 $0x280, v2;
	v4 =	vld.idx.msk [tilespmem:v20+s14+$0x0], $0xffff;
	[tilespmem:s21+$0x120] =	vst v19  }
0x1bd: {  	v54 =	vor.u32 $0x380, v7;
	s15 =	sor.u32 $0x280, s11;
	s7 =	sadd.s32 $0x200, s2;
	v31 =	vor.u32 $0x280, v3;
	v24 =	vld.idx.msk [tilespmem:v37+s5+$0x0], $0xffff  }
0x1be: {  	v12 =	vmul.f32 v13, v12;
	v13 =	vor.u32 $0x200, v15;
	s2 =	sadd.s32 $0x30, s7;
	[tilespmem:s15+$0x16000] =	vst v10;
	v10 =	vmul.f32 v22, v50;
	v32 =	vld.idx.msk [tilespmem:v51+s14+$0x0], $0xffff  }
0x1bf: {  	v58 =	vor.u32 $0x200, v16;
	v59 =	vor.u32 $0x200, v17;
	v46 =	vor.u32 $0x300, v16;
	s16 =	sor.u32 $0x200, s2;
	v60 =	vld.idx.msk [tilespmem:v26+s5+$0x0], $0xffff  }
0x1c0: {  	s4 =	sor.u32 $0x380, s4;
	v39 =	vor.u32 $0x200, v18;
	v40 =	vor.u32 $0x200, v28;
	v38 =	vld.idx.msk [tilespmem:v38+s14+$0x0], $0xffff;
	v14 =	vmul.f32 v14, v33;
	[tilespmem:s16+$0x16000] =	vst v10  }
0x1c1: {  	v41 =	vor.u32 $0x200, v29;
	v9 =	vor.u32 $0x280, v28;
	v25 =	vmul.f32 v25, v30;
	[tilespmem:s4+$0x16000] =	vst v12;
	v61 =	vld.idx.msk [tilespmem:v23+s5+$0x0], $0xffff  }
0x1c2: {  	s22 =	sor.u32 $0x300, s3;
	v8 =	vor.u32 $0x380, v5;
	v5 =	vor.u32 $0x280, v18;
	v62 =	vld.idx.msk [tilespmem:v31+s14+$0x0], $0xffff;
	[tilespmem:s21+$0x180] =	vst v14;
	v14 =	vmul.f32 v4, v11  }
0x1c3: {  	s17 =	sor.u32 $0x300, s30;
	s6 =	sor.u32 $0x300, s11;
	s9 =	sor.u32 $0x380, s30;
	v6 =	vor.u32 $0x280, v17;
	v47 =	vor.u32 $0x300, v15;
	v34 =	vmul.f32 v49, v35;
	[tilespmem:s22+$0x16000] =	vst v25;
	v31 =	vld.idx.msk [tilespmem:v13+s5+$0x0], $0xffff  }
0x1c4: {  	s23 =	simm.s32 $0x4;
	s10 =	sor.u32 $0x380, s11;
	s12 =	sor.u32 $0x380, s3;
	v21 =	vor.u32 $0x280, v29;
	v35 =	vor.u32 $0x300, v3;
	v33 =	vld.idx.msk [tilespmem:v58+s14+$0x0], $0xffff;
	v23 =	vmul.f32 v32, v24;
	[tilespmem:s21+$0x190] =	vst v14  }
0x1c5: {  	s3 =	simm.s32 $0x108B0;
	s24 =	sadd.s32 $0x10, s7;
	s30 =	sadd.s32 $0x20, s7;
	v27 =	vor.u32 $0x300, v28;
	v20 =	vor.u32 $0x280, v15;
	[tilespmem:s17+$0x16000] =	vst v34;
	v63 =	vmul.f32 v38, v60;
	v32 =	vld.idx.msk [tilespmem:v39+s5+$0x0], $0xffff  }
0x1c6: {  	s20 =	sor.u32 $0x200, s7;
	s11 =	sor.u32 $0x280, s7;
	s13 =	sor.u32 $0x200, s24;
	v19 =	vor.u32 $0x280, v16;
	v25 =	vor.u32 $0x380, v15;
	v15 =	vor.u32 $0x380, v29;
	[tilespmem:s21+$0x1A0] =	vst v23;
	v30 =	vld.idx.msk [tilespmem:v59+s14+$0x0], $0xffff  }
0x1c7: {  	s19 =	sor.u32 $0x200, s30;
	s18 =	sor.u32 $0x300, s24;
	s22 =	sor.u32 $0x280, s24;
	v26 =	vor.u32 $0x300, v17;
	v10 =	vor.u32 $0x300, v29;
	v24 =	vor.u32 $0x380, v18;
	[tilespmem:s6+$0x16000] =	vst v63;
	v29 =	vld.idx.msk [tilespmem:v40+s5+$0x0], $0xffff  }
0x1c8: {  	s17 =	sor.u32 $0x300, s30;
	s15 =	sor.u32 $0x300, s7;
	s24 =	sor.u32 $0x380, s24;
	v14 =	vor.u32 $0x300, v18;
	v18 =	vor.u32 $0x380, v17;
	v17 =	vor.u32 $0x380, v28;
	v28 =	vld.idx.msk [tilespmem:v41+s14+$0x0], $0xffff;
	[tilespmem:$0x1FFE0] =	vst v0  }
0x1c9: {  	s4 =	sor.u32 $0x380, s7;
	v34 =	vor.u32 $0x300, v2;
	s16 =	sor.u32 $0x380, s30;
	v23 =	vor.u32 $0x380, v16;
	s21 =	sor.u32 $0x280, s30;
	v36 =	vmul.f32 v62, v61;
	[tilespmem:$0x1FFF0] =	vst v1  }
.LBB2_8:
0x1ca: {  	_ =	sdelay $0x1  }
0x1cb: {  	v37 =	vld [tilespmem:s3+$0x0];
	s6 =	sor.u32 $0x280, s2;
	s31 =	sadd.s32 $0x40, s31  }
0x1cc: {  	v38 =	vld [tilespmem:s31+$0x0];
	[tilespmem:s6+$0x16000] =	vst v36;
	v31 =	vmul.f32 v33, v31  }
0x1cd: {  	v48 =	vld.idx.msk [tilespmem:v34+s5+$0x0], $0xffff  }
0x1ce: {  	v30 =	vmul.f32 v30, v32;
	[tilespmem:s20+$0x16000] =	vst v31;
	v31 =	vld.idx.msk [tilespmem:v35+s14+$0x0], $0xffff  }
0x1cf: {  	v49 =	vld [tilespmem:s3+$0xFFFFFFD0]  }
0x1d0: {  	v28 =	vmul.f32 v28, v29;
	[tilespmem:s13+$0x16000] =	vst v30;
	v50 =	vld [tilespmem:s31+$0xFFFFFFD0]  }
0x1d1: {  	v55 =	vor.u32 $0x380, v3;
	v51 =	vadd.s32 v0, v37;
	v30 =	vadd.s32 v1, v38;
	v29 =	vld [tilespmem:s3+$0xFFFFFFE0]  }
0x1d2: {  	v52 =	vand.u32 $0x7F, v51;
	v35 =	vshll.u32 v51, $0x3;
	[tilespmem:s19+$0x16000] =	vst v28;
	v28 =	vor.u32 $0x380, v2;
	v53 =	vld [tilespmem:s31+$0xFFFFFFE0]  }
0x1d3: {  	v38 =	vand.u32 $0x7F, v30;
	v39 =	vld [tilespmem:s3+$0xFFFFFFF0];
	v2 =	vand.u32 $0xFFFFFC00, v35;
	v30 =	vshll.u32 v30, $0x3  }
0x1d4: {  	v41 =	vld [tilespmem:s31+$0xFFFFFFF0];
	v2 =	vor.u32 v52, v2;
	v3 =	vand.u32 $0xFFFFFC00, v30;
	v30 =	vmul.f32 v31, v48  }
0x1d5: {  	s20 =	sor.u32 $0x300, s2;
	v40 =	vld.idx.msk [tilespmem:v20+s5+$0x0], $0xffff;
	v3 =	vor.u32 v38, v3  }
0x1d6: {  	v42 =	vld.idx.msk [tilespmem:v19+s14+$0x0], $0xffff;
	[tilespmem:s20+$0x16000] =	vst v30  }
0x1d7: {  	v28 =	vld.idx.msk [tilespmem:v28+s5+$0x0], $0xffff  }
0x1d8: {  	v22 =	vor.u32 $0x80, v3;
	v35 =	vld.idx.msk [tilespmem:v55+s14+$0x0], $0xffff  }
0x1d9: {  	v31 =	vadd.s32 v0, v49;
	v56 =	vadd.s32 v1, v50;
	v29 =	vadd.s32 v0, v29;
	v63 =	vld.idx.msk [tilespmem:v2+s5+$0x0], $0xffff  }
0x1da: {  	[tilespmem:$0x1FF50] =	vst v27;
	v61 =	vadd.s32 v1, v41;
	v27 =	vshll.u32 v31, $0x3;
	v30 =	vshll.u32 v29, $0x3;
	v43 =	vld.idx.msk [tilespmem:v3+s14+$0x0], $0xffff  }
0x1db: {  	[tilespmem:$0x1FF40] =	vst v26;
	v44 =	vld.idx.msk [tilespmem:v5+s5+$0x0], $0xffff;
	v41 =	vshll.u32 v61, $0x3;
	v26 =	vand.u32 $0xFFFFFC00, v27;
	v27 =	vadd.s32 v1, v53  }
0x1dc: {  	v45 =	vld.idx.msk [tilespmem:v6+s14+$0x0], $0xffff;
	v20 =	vand.u32 $0x7F, v29;
	v30 =	vand.u32 $0xFFFFFC00, v30;
	v59 =	vshll.u32 v27, $0x3  }
0x1dd: {  	s0 =	sadd.s32 $0x200, s0;
	s1 =	sadd.s32 $0x40, s1;
	v48 =	vld.idx.msk [tilespmem:v9+s5+$0x0], $0xffff;
	v27 =	vand.u32 $0x7F, v27;
	v49 =	vor.u32 v20, v30;
	v20 =	vor.u32 $0x80, v2  }
0x1de: {  	s30 =	sand.u32 $0x40, s1;
	s7 =	sand.u32 $0x3C00, s0;
	v50 =	vld.idx.msk [tilespmem:v21+s14+$0x0], $0xffff;
	v19 =	vand.u32 $0x7F, v61;
	v41 =	vand.u32 $0xFFFFFC00, v41;
	v21 =	vmul.f32 v35, v28  }
0x1df: {  	s8 =	sor.u32 $0x380, s2;
	s6 =	sor.u32 s30, s7;
	v53 =	vld.idx.msk [tilespmem:v8+s5+$0x0], $0xffff;
	v41 =	vor.u32 v19, v41;
	v34 =	vand.u32 $0xFFFFFC00, v59;
	v19 =	vmul.f32 v43, v63  }
0x1e0: {  	v31 =	vand.u32 $0x7F, v31;
	v51 =	vor.u32 v27, v34;
	v27 =	vmov v14;
	v14 =	vld.idx.msk [tilespmem:v57+s5+$0x0], $0xffff;
	[tilespmem:s8+$0x16000] =	vst v21;
	s8 =	sadd.s32 $0x16000, s6  }
0x1e1: {  	v36 =	vmov v46;
	v46 =	vor.u32 v31, v26;
	v43 =	vld.idx.msk [tilespmem:v54+s14+$0x0], $0xffff;
	[tilespmem:s8+$0x30] =	vst v19  }
0x1e2: {  	v60 =	vadd.s32 v0, v39;
	v58 =	vshll.u32 v56, $0x3;
	v13 =	vor.u32 $0x280, v49;
	v54 =	vmovc v23;
	v23 =	vld.idx.msk [tilespmem:v20+s5+$0x0], $0xffff  }
0x1e3: {  	v62 =	vshll.u32 v60, $0x3;
	v32 =	vand.u32 $0x7F, v56;
	[tilespmem:$0x1FF70] =	vst v13;
	v13 =	vor.u32 $0x280, v51;
	v22 =	vld.idx.msk [tilespmem:v22+s14+$0x0], $0xffff  }
0x1e4: {  	v29 =	vand.u32 $0x7F, v60;
	v33 =	vand.u32 $0xFFFFFC00, v58;
	v38 =	vand.u32 $0xFFFFFC00, v62;
	[tilespmem:$0x1FFA0] =	vst v13;
	v13 =	vld [tilespmem:$0x1FFD0]  }
0x1e5: {  	v52 =	vor.u32 v29, v38;
	v26 =	vmov v47;
	v47 =	vor.u32 v32, v33;
	v4 =	vld.idx.msk [tilespmem:v49+s5+$0x0], $0xffff  }
0x1e6: {  	v7 =	vor.u32 $0x200, v52;
	v21 =	vld.idx.msk [tilespmem:v46+s5+$0x0], $0xffff  }
0x1e7: {  	[tilespmem:$0x1FF80] =	vst v7;
	v7 =	vor.u32 $0x200, v41;
	v5 =	vld.idx.msk [tilespmem:v51+s14+$0x0], $0xffff  }
0x1e8: {  	v11 =	vmov v18;
	[tilespmem:$0x1FF90] =	vst v7;
	v23 =	vmul.f32 v22, v23;
	v22 =	vmov v10;
	v10 =	vld [tilespmem:$0x1FFB0]  }
0x1e9: {  	v7 =	vor.u32 $0x100, v2;
	[tilespmem:$0x1FFB0] =	vst v11;
	v11 =	vld [tilespmem:$0x1FFC0]  }
0x1ea: {  	v9 =	vor.u32 $0x100, v3;
	v57 =	vmov v24;
	v24 =	vld.idx.msk [tilespmem:v47+s14+$0x0], $0xffff  }
0x1eb: {  	v6 =	vld.idx.msk [tilespmem:v52+s5+$0x0], $0xffff  }
0x1ec: {  	v8 =	vld.idx.msk [tilespmem:v41+s14+$0x0], $0xffff  }
0x1ed: {  	v12 =	vmov v17;
	v17 =	vmul.f32 v42, v40;
	v42 =	vld.idx.msk [tilespmem:v13+s14+$0x0], $0xffff;
	[tilespmem:s8+$0xB0] =	vst v23  }
0x1ee: {  	v4 =	vmul.f32 v5, v4;
	v5 =	vld.idx.msk [tilespmem:v7+s5+$0x0], $0xffff  }
0x1ef: {  	v0 =	vmov v25;
	v55 =	vor.u32 $0x80, v49;
	v18 =	vmul.f32 v24, v21;
	v9 =	vld.idx.msk [tilespmem:v9+s14+$0x0], $0xffff  }
0x1f0: {  	[tilespmem:$0x1FF60] =	vst v0;
	v56 =	vor.u32 $0x80, v51;
	v10 =	vld.idx.msk [tilespmem:v10+s14+$0x0], $0xffff  }
0x1f1: {  	v40 =	vmul.f32 v45, v44;
	v59 =	vor.u32 $0x80, v52;
	[tilespmem:s6+$0x16000] =	vst v18;
	v11 =	vld.idx.msk [tilespmem:v11+s5+$0x0], $0xffff  }
0x1f2: {  	v25 =	vor.u32 $0x80, v46;
	[tilespmem:s8+$0x10] =	vst v4;
	v4 =	vmul.f32 v8, v6  }
0x1f3: {  	v0 =	vor.u32 $0x80, v47;
	v7 =	vmul.f32 v50, v48;
	[tilespmem:s22+$0x16000] =	vst v40  }
0x1f4: {  	v60 =	vor.u32 $0x80, v41;
	v40 =	vld.idx.msk [tilespmem:v55+s5+$0x0], $0xffff;
	[tilespmem:s8+$0x20] =	vst v4  }
0x1f5: {  	v13 =	vmov v15;
	v5 =	vmul.f32 v9, v5;
	v55 =	vld.idx.msk [tilespmem:v56+s14+$0x0], $0xffff;
	v56 =	vor.u32 $0x180, v2;
	[tilespmem:s21+$0x16000] =	vst v7  }
0x1f6: {  	[tilespmem:s11+$0x16000] =	vst v17;
	v7 =	vmul.f32 v10, v14;
	v10 =	vmul.f32 v42, v11;
	v11 =	vld.idx.msk [tilespmem:v59+s5+$0x0], $0xffff;
	v59 =	vor.u32 $0x180, v3  }
0x1f7: {  	[tilespmem:$0x1FFD0] =	vst v13;
	v13 =	vld.idx.msk [tilespmem:v25+s5+$0x0], $0xffff;
	v4 =	vmul.f32 v43, v53  }
0x1f8: {  	v8 =	vld.idx.msk [tilespmem:v0+s14+$0x0], $0xffff;
	[tilespmem:s8+$0x130] =	vst v5  }
0x1f9: {  	[tilespmem:s12+$0x16000] =	vst v4;
	v4 =	vld.idx.msk [tilespmem:v60+s14+$0x0], $0xffff  }
0x1fa: {  	v9 =	vld.idx.msk [tilespmem:v56+s5+$0x0], $0xffff  }
0x1fb: {  	[tilespmem:s10+$0x16000] =	vst v10;
	v10 =	vld.idx.msk [tilespmem:v59+s14+$0x0], $0xffff;
	_ =	sdelay $0x2  }
0x1fc: {  	v58 =	vor.u32 $0x100, v46  }
0x1fd: {  	v61 =	vor.u32 $0x100, v47;
	[tilespmem:$0x1FFC0] =	vst v12;
	v8 =	vmul.f32 v8, v13  }
0x1fe: {  	v62 =	vor.u32 $0x100, v49;
	v1 =	vor.u32 $0x100, v52;
	v5 =	vld.idx.msk [tilespmem:v36+s14+$0x0], $0xffff;
	[tilespmem:s9+$0x16000] =	vst v7;
	v9 =	vmul.f32 v10, v9  }
0x1ff: {  	v16 =	vor.u32 $0x100, v41;
	v39 =	vor.u32 $0x180, v47;
	v63 =	vor.u32 $0x100, v51;
	v7 =	vld.idx.msk [tilespmem:v26+s5+$0x0], $0xffff;
	[tilespmem:s8+$0x80] =	vst v8  }
0x200: {  	v33 =	vor.u32 $0x200, v47;
	v12 =	vor.u32 $0x300, v46;
	v8 =	vmul.f32 v55, v40;
	[tilespmem:s8+$0x1B0] =	vst v9;
	v9 =	vld [tilespmem:$0x1FF40]  }
0x201: {  	v44 =	vor.u32 $0x300, v47;
	v19 =	vor.u32 $0x280, v47;
	v23 =	vor.u32 $0x380, v47;
	v47 =	vmovc v12;
	v12 =	vld.idx.msk [tilespmem:v58+s5+$0x0], $0xffff  }
0x202: {  	v13 =	vld.idx.msk [tilespmem:v61+s14+$0x0], $0xffff;
	[tilespmem:s8+$0x90] =	vst v8;
	v4 =	vmul.f32 v4, v11  }
0x203: {  	v8 =	vld.idx.msk [tilespmem:v62+s5+$0x0], $0xffff  }
0x204: {  	v11 =	vld.idx.msk [tilespmem:v63+s14+$0x0], $0xffff;
	[tilespmem:s8+$0xA0] =	vst v4  }
0x205: {  	v5 =	vmul.f32 v5, v7;
	v0 =	vld.idx.msk [tilespmem:v1+s5+$0x0], $0xffff  }
0x206: {  	v4 =	vor.u32 $0x200, v2;
	v1 =	vld.idx.msk [tilespmem:v16+s14+$0x0], $0xffff  }
0x207: {  	v7 =	vor.u32 $0x200, v3;
	[tilespmem:s15+$0x16000] =	vst v5;
	v5 =	vld.idx.msk [tilespmem:v27+s5+$0x0], $0xffff  }
0x208: {  	v37 =	vor.u32 $0x180, v49;
	v9 =	vld.idx.msk [tilespmem:v9+s14+$0x0], $0xffff  }
0x209: {  	v28 =	vor.u32 $0x180, v51  }
0x20a: {  	v8 =	vmul.f32 v11, v8  }
0x20b: {  	v4 =	vld.idx.msk [tilespmem:v4+s5+$0x0], $0xffff  }
0x20c: {  	v7 =	vld.idx.msk [tilespmem:v7+s14+$0x0], $0xffff;
	[tilespmem:s8+$0x110] =	vst v8  }
0x20d: {  	v0 =	vmul.f32 v1, v0;
	v1 =	vld.idx.msk [tilespmem:v37+s5+$0x0], $0xffff;
	v5 =	vmul.f32 v9, v5  }
0x20e: {  	v8 =	vld.idx.msk [tilespmem:v28+s14+$0x0], $0xffff  }
0x20f: {  	v34 =	vor.u32 $0x180, v41;
	[tilespmem:s18+$0x16000] =	vst v5;
	v5 =	vld [tilespmem:$0x1FF50]  }
0x210: {  	p1 =	por !p1, !p1;
	s2 =	simm.s32 $0x1;
	v35 =	vor.u32 $0x180, v52  }
0x211: {  	s2 =	simm.s32 @!p1 $0x0  }
0x212: {  	s2 =	sshll.u32 s2, $0x6  }
0x213: {  	s12 =	smov.u32 s4;
	s4 =	sadd.s32 s2, s0;
	[tilespmem:s8+$0x120] =	vst v0  }
0x214: {  	s2 =	sadd.s32 $0x30, s4;
	v10 =	vmul.f32 v13, v12;
	v13 =	vld.idx.msk [tilespmem:v34+s14+$0x0], $0xffff;
	v4 =	vmul.f32 v7, v4  }
0x215: {  	v38 =	vor.u32 $0x180, v46;
	s30 =	sor.u32 $0x200, s2;
	v9 =	vld.idx.msk [tilespmem:v35+s5+$0x0], $0xffff  }
0x216: {  	[tilespmem:s30+$0x16000] =	vst v4;
	v4 =	vld.idx.msk [tilespmem:v22+s14+$0x0], $0xffff  }
0x217: {  	v5 =	vld.idx.msk [tilespmem:v5+s5+$0x0], $0xffff  }
0x218: {  	v1 =	vmul.f32 v8, v1  }
0x219: {  	[tilespmem:s8+$0x100] =	vst v10  }
0x21a: {  	v10 =	vld.idx.msk [tilespmem:v38+s5+$0x0], $0xffff;
	[tilespmem:s8+$0x190] =	vst v1;
	v1 =	vmul.f32 v13, v9  }
0x21b: {  	v11 =	vld.idx.msk [tilespmem:v39+s14+$0x0], $0xffff  }
0x21c: {  	v0 =	vor.u32 $0x280, v2;
	[tilespmem:s8+$0x1A0] =	vst v1;
	v1 =	vmul.f32 v4, v5;
	v4 =	vld [tilespmem:$0x1FF80]  }
0x21d: {  	v12 =	vor.u32 $0x280, v3  }
0x21e: {  	v31 =	vor.u32 $0x200, v46;
	_ =	sdelay $0x1  }
0x21f: {  	v7 =	vmul.f32 v11, v10  }
0x220: {  	v6 =	vor.u32 $0x300, v41;
	v0 =	vld.idx.msk [tilespmem:v0+s5+$0x0], $0xffff  }
0x221: {  	v10 =	vmov v6;
	[tilespmem:s8+$0x180] =	vst v7;
	v6 =	vld.idx.msk [tilespmem:v12+s14+$0x0], $0xffff  }
0x222: {  	v29 =	vor.u32 $0x280, v52;
	v31 =	vld.idx.msk [tilespmem:v31+s5+$0x0], $0xffff  }
0x223: {  	v9 =	vmov v29;
	v29 =	vld.idx.msk [tilespmem:v4+s5+$0x0], $0xffff  }
0x224: {  	v32 =	vor.u32 $0x200, v49;
	v4 =	vld [tilespmem:$0x1FF90]  }
0x225: {  	v30 =	vor.u32 $0x200, v51;
	v33 =	vld.idx.msk [tilespmem:v33+s14+$0x0], $0xffff  }
0x226: {  	s23 =	sadd.s32 $0x4, s23;
	v8 =	vld [tilespmem:$0x1FF60]  }
0x227: {  	p2 =	slt.u32 s23, $0x7C;
	s3 =	sadd.s32 $0x40, s3;
	v36 =	vmul.f32 v6, v0;
	v6 =	vld [tilespmem:$0x1FFA0]  }
0x228: {  	s7 =	sadd.s32 $0x10, s4;
	s20 =	sor.u32 $0x200, s4;
	s11 =	sor.u32 $0x280, s4;
	v0 =	vld [tilespmem:$0x1FFE0]  }
.Ltmp5:
0x229: {  	v45 =	vor.u32 $0x300, v49;
	s13 =	sor.u32 $0x200, s7;
	s22 =	sor.u32 $0x280, s7;
	v32 =	vld.idx.msk [tilespmem:v32+s5+$0x0], $0xffff;
	(pc) =	sbr.rel @p2 .LBB2_8-.Ltmp5, $4  }
0x22a: {  	v20 =	vor.u32 $0x280, v46;
	v21 =	vor.u32 $0x280, v41;
	v24 =	vor.u32 $0x380, v49;
	s9 =	smov.u32 s24;
	s10 =	smov.u32 s16;
	s16 =	sadd.s32 $0x20, s4;
	v30 =	vld.idx.msk [tilespmem:v30+s14+$0x0], $0xffff  }
0x22b: {  	v15 =	vor.u32 $0x380, v41;
	v18 =	vor.u32 $0x380, v51;
	v17 =	vor.u32 $0x380, v52;
	s24 =	sor.u32 $0x380, s7;
	s19 =	sor.u32 $0x200, s16;
	s21 =	sor.u32 $0x280, s16;
	v5 =	vld [tilespmem:$0x1FF70]  }
0x22c: {  	v48 =	vor.u32 $0x300, v51;
	v50 =	vor.u32 $0x300, v52;
	v25 =	vor.u32 $0x380, v46;
	v46 =	vmovc v44;
	s15 =	sor.u32 $0x300, s4;
	s4 =	sor.u32 $0x380, s4;
	s30 =	sor.u32 $0x300, s16;
	v28 =	vld.idx.msk [tilespmem:v4+s14+$0x0], $0xffff  }
0x22d: {  	v14 =	vmovc v45;
	v26 =	vmovc v48;
	v27 =	vmov v50;
	v34 =	vor.u32 $0x300, v2;
	s16 =	sor.u32 $0x380, s16;
	v35 =	vor.u32 $0x300, v3;
	s18 =	sor.u32 $0x300, s7;
	[tilespmem:s17+$0x16000] =	vst v1;
	v1 =	vld [tilespmem:$0x1FFF0];
	s17 =	smov.u32 s30  }
0x22e: {  	_ =	sdelay $0x2  }
0x22f: {  	s0 =	sor.u32 $0x280, s2  }
0x230: {  	v4 =	vmul.f32 v33, v31;
	v8 =	vld.idx.msk [tilespmem:v8+s5+$0x0], $0xffff;
	[tilespmem:s0+$0x16000] =	vst v36  }
0x231: {  	v0 =	vld.idx.msk [tilespmem:v34+s5+$0x0], $0xffff  }
0x232: {  	v1 =	vld.idx.msk [tilespmem:v35+s14+$0x0], $0xffff;
	[tilespmem:s20+$0x16000] =	vst v4  }
0x233: {  	v40 =	vmul.f32 v30, v32;
	v39 =	vld.idx.msk [tilespmem:v20+s5+$0x0], $0xffff  }
0x234: {  	v4 =	vld.idx.msk [tilespmem:v19+s14+$0x0], $0xffff  }
0x235: {  	v44 =	vld.idx.msk [tilespmem:v54+s14+$0x0], $0xffff;
	[tilespmem:s13+$0x16000] =	vst v40;
	v41 =	vmul.f32 v28, v29  }
0x236: {  	v2 =	vor.u32 $0x380, v2;
	v5 =	vld.idx.msk [tilespmem:v5+s5+$0x0], $0xffff  }
0x237: {  	v42 =	vld.idx.msk [tilespmem:v6+s14+$0x0], $0xffff;
	[tilespmem:s19+$0x16000] =	vst v41  }
0x238: {  	v43 =	vld.idx.msk [tilespmem:v9+s5+$0x0], $0xffff;
	v0 =	vmul.f32 v1, v0  }
0x239: {  	v3 =	vor.u32 $0x380, v3;
	s20 =	sor.u32 $0x300, s2;
	v7 =	vld.idx.msk [tilespmem:v21+s14+$0x0], $0xffff;
	v1 =	vmul.f32 v4, v39  }
0x23a: {  	v45 =	vld.idx.msk [tilespmem:v57+s5+$0x0], $0xffff;
	[tilespmem:s20+$0x16000] =	vst v0  }
0x23b: {  	v2 =	vld.idx.msk [tilespmem:v2+s5+$0x0], $0xffff;
	[tilespmem:s11+$0x16000] =	vst v1  }
0x23c: {  	v0 =	vmul.f32 v42, v5;
	v47 =	vld.idx.msk [tilespmem:v47+s5+$0x0], $0xffff  }
0x23d: {  	v49 =	vld.idx.msk [tilespmem:v46+s14+$0x0], $0xffff  }
0x23e: {  	v3 =	vld.idx.msk [tilespmem:v3+s14+$0x0], $0xffff;
	[tilespmem:s22+$0x16000] =	vst v0;
	v48 =	vmul.f32 v7, v43  }
0x23f: {  	v50 =	vld.idx.msk [tilespmem:v14+s5+$0x0], $0xffff  }
0x240: {  	v51 =	vld.idx.msk [tilespmem:v26+s14+$0x0], $0xffff;
	[tilespmem:s21+$0x16000] =	vst v48  }
0x241: {  	v52 =	vld.idx.msk [tilespmem:v27+s5+$0x0], $0xffff  }
0x242: {  	v11 =	vld [tilespmem:$0x1FFB0];
	v5 =	vmul.f32 v49, v47  }
0x243: {  	v53 =	vld [tilespmem:$0x1FFC0]  }
0x244: {  	v10 =	vld.idx.msk [tilespmem:v10+s14+$0x0], $0xffff;
	[tilespmem:s15+$0x16000] =	vst v5  }
0x245: {  	v0 =	vmul.f32 v51, v50;
	v5 =	vld [tilespmem:$0x1FFD0]  }
0x246: {  	v54 =	vld.idx.msk [tilespmem:v25+s5+$0x0], $0xffff  }
0x247: {  	[tilespmem:s18+$0x16000] =	vst v0;
	v56 =	vld.idx.msk [tilespmem:v23+s14+$0x0], $0xffff  }
0x248: {  	v57 =	vld.idx.msk [tilespmem:v24+s5+$0x0], $0xffff  }
0x249: {  	v55 =	vmul.f32 v10, v52;
	v58 =	vld.idx.msk [tilespmem:v18+s14+$0x0], $0xffff  }
0x24a: {  	v11 =	vld.idx.msk [tilespmem:v11+s14+$0x0], $0xffff  }
0x24b: {  	[tilespmem:s17+$0x16000] =	vst v55;
	v6 =	vld.idx.msk [tilespmem:v53+s5+$0x0], $0xffff  }
0x24c: {  	v59 =	vld.idx.msk [tilespmem:v17+s5+$0x0], $0xffff  }
0x24d: {  	v2 =	vmul.f32 v3, v2;
	v60 =	vld.idx.msk [tilespmem:v15+s14+$0x0], $0xffff  }
0x24e: {  	s23 =	sor.u32 $0x380, s2;
	v4 =	vmul.f32 v44, v8;
	v5 =	vld.idx.msk [tilespmem:v5+s14+$0x0], $0xffff  }
0x24f: {  	[tilespmem:s23+$0x16000] =	vst v2;
	v62 =	vmul.f32 v56, v54  }
0x250: {  	[tilespmem:s12+$0x16000] =	vst v4;
	v0 =	vmul.f32 v58, v57  }
0x251: {  	[tilespmem:s4+$0x16000] =	vst v62;
	v1 =	vmul.f32 v11, v45  }
0x252: {  	v63 =	vmul.f32 v60, v59;
	[tilespmem:s24+$0x16000] =	vst v0  }
0x253: {  	[tilespmem:s9+$0x16000] =	vst v1;
	v61 =	vmul.f32 v5, v6  }
0x254: {  	[tilespmem:s16+$0x16000] =	vst v63  }
0x255: {  	[tilespmem:s10+$0x16000] =	vst v61  }
0x256: {  	s0 =	rddreg [dreg:$0x9]  }
0x257: {  	s30 =	simm.s32 $0x16000;
	s1 =	rddreg [dreg:$0xc]  }
0x258: {  	s28 =	sadd.s32 $0x1, s28;
	s29 =	sadd.s32 $0x1, s29;
	s0 =	sadd.s32 s1, s0  }
0x259: {  	[hbm4b:s0+s5] =	stream.linear.scatter [tilespmem:s30], [sflag:$0x4], $0x4000, $0x38;
	[tilespmem:$0x1A000] =	vst v63  }
0x25a: {  	p1 =	sgt.s32 s28, $0x1;
	s31 =	rddreg [dreg:$0x6];
	s0 =	simm.s32 $0x1  }
0x25b: {  	p3 =	slt.u32 s29, s31;
	s0 =	simm.s32 @!p1 $0x0  }
.Ltmp6:
0x25c: {  	s26 =	sadd.s32 s0, s26;
	(pc) =	sbr.rel @p3 .LBB2_5-.Ltmp6, $4  }
.Ltmp7:
0x25d: {  	s0 =	simm.s32 $0x1;
	p2 =	sgt.s32 s26, $0x19;
	(pc) =	sbr.rel @!p3 .LBB2_10-.Ltmp7, $4  }
0x25e: {  	s0 =	simm.s32 @!p2 $0x0  }
0x25f: {  	s28 =	simm.s32 @p1 $0x0;
	s1 =	sadd.s32 $0x2, s25;
	s0 =	sadd.s32 s0, s25  }
0x260: {  	s8 =	rddreg [dreg:$0x4];
	s26 =	smov.u32 @p2 s1;
	s25 =	smov.u32 s0  }
0x261: {  	_ = 	snop  }
.LBB2_11:
0x262: {  	_ =	sfence.sel $0x180000  }
0x263: {  	[bflag:$0x0] =	sbarrier.arrive $0xFFFF  }
0x264: {  	_ =	strace $0x90000047  }
0x265: {  	s0 =	stileid.u32;
	[bflag:$0x2] =	sbarrier.arrive $0xFFFF  }
0x266: {  	p0 =	sne.s32 s0, $0x0;
	s0 =	rddreg [dreg:$0x3]  }
0x267: {  	s0 =	sadd.s32 @!p0 $0x100000, s0  }
0x268: {  	[sflag:s0] =	ssyncadd.tile.s32 @!p0 $0x1;
	_ =	shalt  }
.Lfunc_end2:
_tile_overlayer_lowered:
.L_overlay_start_2:
0x269: {  	(tag) =	ssettag $0x2  }
0x26a: {  	s0 =	rddreg [dreg:$0x0];
	s2 =	stileid.u32  }
0x26b: {  	s1 =	rddreg [dreg:$0x1];
	p0 =	sne.s32 s2, $0x0  }
0x26c: {  	s3 =	rddreg [dreg:$0x2];
	[bflag:$0x3] =	sbarrier.arrive $0xFFFF;
	s2 =	simm.s32 @!p0 $0x1C05  }
0x26d: {  	[timem:s3], [sflag:s2] =	dma.local @!p0 [hbm:s0], s1  }
0x26e: {  	s0 =	simm.s32 @!p0 $0x5  }
0x26f: {  	_ =	swait.ge @!p0 [sflag:s0], s1  }
0x270: {  	s1 =	ssub.s32 @!p0 $0x0, s1;
	[sflag:s0] =	ssyncset.done @!p0 $0x0  }
0x271: {  	[sflag:s0] =	ssyncadd.s32 @!p0 s1  }
0x272: {  	[bflag:$0x3] =	sbarrier.arrive $0xFFFF  }
0x273: {  	_ =	shalt  }

</sc_bundles>
